<compile_context>
chip_gen: v7x
topology: tpu7x:2x2x1
jax: 0.10.2.dev20260603
libtpu: 0.0.44.dev20260713+nightly
codegen_flags: <defaults>
</compile_context>

<pallas_src>
import functools

import jax
import jax.numpy as jnp
from jax import lax
from jax.experimental import pallas as pl
from jax.experimental.pallas import tpu as pltpu
from jax.experimental.pallas import tpu_sc as plsc

_N = 16384
_M = 16384
_NNZ = 2621440
_C = 32

_NC = 2
_NS = 16
_NW = _NC * _NS
_K = 128
_SUB = 16
_PER_W = _NNZ // _NW
_CHUNKS = _PER_W // _K
_NB = _CHUNKS // _SUB
_RPT = _N // _NS
_ZR = 128
_LOOK = 4
_RING = 8


def _sc_spmm(col2, row2, val2, x0bf):
  mesh = plsc.VectorSubcoreMesh(core_axis_name="c", subcore_axis_name="s")

  @functools.partial(
      pl.kernel,
      out_type=jax.ShapeDtypeStruct((_NC * _N, _C), jnp.float32),
      mesh=mesh,
      scratch_types=[
          pltpu.VMEM((2, _SUB, _K), jnp.int32),
          pltpu.VMEM((2, _SUB, _K), jnp.int32),
          pltpu.VMEM((2, _SUB, _K), jnp.float32),
          pltpu.VMEM((_RING, _K, _C), jnp.bfloat16),
          pltpu.VMEM((_RING, _K, _C), jnp.float32),
          pltpu.VMEM((_ZR, _C), jnp.float32),
          pltpu.VMEM_SHARED((_N, _C), jnp.float32),
          pltpu.SemaphoreType.DMA,
          pltpu.SemaphoreType.DMA,
          pltpu.SemaphoreType.DMA,
      ],
      compiler_params=pltpu.CompilerParams(use_tc_tiling_on_sc=False,
                                           needs_layout_passes=False),
  )
  def k(col_h, row_h, val_h, x0_h, out_h,
        colb, rowb, valb, rowsb, sbuf, zero_v, acc, isem, gsem, ssem):
    cid = lax.axis_index("c")
    sid = lax.axis_index("s")
    wid = sid * _NC + cid

    zeros16 = jnp.zeros((16,), jnp.float32)

    @pl.loop(0, _ZR)
    def _(r):
      zero_v[r, pl.ds(0, 16)] = zeros16
      zero_v[r, pl.ds(16, 16)] = zeros16

    for b in range(_RPT // _ZR):
      pltpu.sync_copy(zero_v, acc.at[pl.ds(sid * _RPT + b * _ZR, _ZR)])
    plsc.subcore_barrier()

    crow0 = wid * _CHUNKS

    def stage_block(b, slot):
      pltpu.async_copy(col_h.at[pl.ds(crow0 + b * _SUB, _SUB)],
                       colb.at[slot], isem)
      pltpu.async_copy(row_h.at[pl.ds(crow0 + b * _SUB, _SUB)],
                       rowb.at[slot], isem)
      pltpu.async_copy(val_h.at[pl.ds(crow0 + b * _SUB, _SUB)],
                       valb.at[slot], isem)

    def drain_idx(slot):
      pltpu.make_async_copy(col_h.at[pl.ds(crow0, _SUB)],
                            colb.at[slot], isem).wait()
      pltpu.make_async_copy(row_h.at[pl.ds(crow0, _SUB)],
                            rowb.at[slot], isem).wait()
      pltpu.make_async_copy(val_h.at[pl.ds(crow0, _SUB)],
                            valb.at[slot], isem).wait()

    def drain_gather(p):
      pltpu.make_async_copy(x0_h.at[pl.ds(0, _K)], rowsb.at[p], gsem).wait()

    def drain_scatter(p):
      pltpu.make_async_copy(out_h.at[pl.ds(0, _K)], sbuf.at[p], ssem).wait()

    stage_block(0, 0)
    drain_idx(0)
    for c0 in range(_LOOK):
      pltpu.async_copy(x0_h.at[colb.at[0, c0]], rowsb.at[c0], gsem)

    @pl.loop(0, _CHUNKS)
    def _(q):
      p = lax.rem(q, _RING)
      b = lax.div(q, _SUB)
      s = lax.rem(q, _SUB)
      bb = lax.rem(b, 2)

      @pl.when(jnp.logical_and(s == 0, b + 1 < _NB))
      def _():
        stage_block(b + 1, lax.rem(b + 1, 2))

      drain_gather(p)

      @pl.loop(0, _K // 16)
      def _(g):
        vvec = valb[bb, s, pl.ds(g * 16, 16)]
        for j in range(16):
          v = vvec[j]
          r = g * 16 + j
          ab = rowsb[p, r, pl.ds(0, _C)]
          lo, hi = plsc.unpack(ab, format=plsc.PackFormat.INTERLEAVED,
                               preferred_element_type=jnp.float32)
          sbuf[p, r, pl.ds(0, 16)] = lo * v
          sbuf[p, r, pl.ds(16, 16)] = hi * v

      @pl.when(q >= _LOOK)
      def _():
        drain_scatter(lax.rem(q + _RING - _LOOK, _RING))

      @pl.when(q + _LOOK < _CHUNKS)
      def _():
        q2 = q + _LOOK
        b2 = lax.rem(lax.div(q2, _SUB), 2)
        s2 = lax.rem(q2, _SUB)

        @pl.when(s2 == 0)
        def _():
          drain_idx(b2)

        pltpu.async_copy(x0_h.at[colb.at[b2, s2]],
                         rowsb.at[lax.rem(q2, _RING)], gsem)

      pltpu.async_copy(sbuf.at[p], acc.at[rowb.at[bb, s]], ssem, add=True)

    for qt in range(_CHUNKS - _LOOK, _CHUNKS):
      drain_scatter(qt % _RING)
    plsc.subcore_barrier()
    pltpu.sync_copy(acc.at[pl.ds(sid * _RPT, _RPT)],
                    out_h.at[pl.ds(cid * _N + sid * _RPT, _RPT)])

  return k(col2, row2, val2, x0bf)


def _mix(partials, wbd, brow):
  bn = 2048

  def body(p_ref, w_ref, b_ref, o_ref):
    s = p_ref[0] + p_ref[1]
    zt = lax.dot_general(w_ref[:], s, (((0,), (1,)), ((), ())),
                         preferred_element_type=jnp.float32)
    o_ref[:] = (zt + b_ref[:]).reshape(2, 16, bn)

  return pl.pallas_call(
      body,
      grid=(_N // bn,),
      in_specs=[
          pl.BlockSpec((2, bn, _C), lambda i: (0, i, 0)),
          pl.BlockSpec((_C, _C), lambda i: (0, 0)),
          pl.BlockSpec((_C, 1), lambda i: (0, 0)),
      ],
      out_specs=pl.BlockSpec((2, 16, bn), lambda i: (0, 0, i)),
      out_shape=jax.ShapeDtypeStruct((2, 16, _N), jnp.float32),
  )(partials, wbd, brow)


def kernel(D_indices, D_values, x, theta, bias):
  row = D_indices[0].reshape(_NNZ // _K, _K)
  col = D_indices[1].reshape(_NNZ // _K, _K)
  val = D_values.reshape(_NNZ // _K, _K)
  x0 = jnp.transpose(x, (2, 0, 1)).reshape(_M, _C)
  j = jnp.arange(_C)
  perm = (j % 2) * 16 + j // 2
  x0bf = x0[:, perm].astype(jnp.bfloat16)
  partials = _sc_spmm(col, row, val, x0bf).reshape(_NC, _N, _C)
  wbd = jnp.kron(jnp.eye(2, dtype=theta.dtype), theta.T)
  brow = jnp.concatenate([bias[0, :, 0], bias[0, :, 0]]).reshape(_C, 1)
  return _mix(partials, wbd, brow)

# --- scband reference (transcript-rebuilt; emitter-appended) ---
"""Pipeline reference for scband-coboundary-conv-5342939316462 (READ-ONLY COPY).

The authoritative reference and input builder live on the scoring server;
editing this copy changes nothing except your own understanding.
"""

import jax, jax.numpy as jnp
import numpy as np

N = 16384
M = 16384
NNZ = 2621440
B = 2
C_IN = 16
C_OUT = 16


def setup_inputs(seed: int = 0) -> dict:
    key = jax.random.key(seed)
    k1, k2, k3, k4 = jax.random.split(key, 4)
    # Sparse operator D (N x M) in COO form: row = D_indices[0], col = D_indices[1]
    D_indices = jax.random.randint(k1, (2, NNZ), 0, N, dtype=jnp.int32)
    D_values = jax.random.normal(k2, (NNZ,), dtype=jnp.float32)
    x = jax.random.normal(k3, (B, C_IN, M), dtype=jnp.float32)
    # Learned parameters per init_kwargs (variance=1.0, enable_bias=True)
    theta = 1.0 * jax.random.normal(k4, (C_OUT, C_IN), dtype=jnp.float32)
    bias = jnp.zeros((1, C_OUT, 1), dtype=jnp.float32)
    return {"D_indices": D_indices, "D_values": D_values, "x": x, "theta": theta, "bias": bias}


def reference(D_indices, D_values, x, theta, bias):
    row = D_indices[0]
    col = D_indices[1]
    Bb, Cin, Mm = x.shape
    # X0 = x.permute(2,0,1).reshape(M, B*C_in)
    X0 = jnp.transpose(x, (2, 0, 1)).reshape(Mm, Bb * Cin)
    # Sparse matmul Y0 = D @ X0 via gather + scatter-add (segment_sum)
    gathered = X0[col] * D_values[:, None]
    Y0 = jax.ops.segment_sum(gathered, row, num_segments=N)
    # Y0.reshape(N, B, C_in).permute(1, 2, 0)
    Y0 = jnp.transpose(Y0.reshape(N, Bb, Cin), (1, 2, 0))
    # Channel mixing: einsum('oi,bin->bon', theta, Y0)
    y = jnp.einsum("oi,bin->bon", theta, Y0)
    return y + bias

if __name__ == "__main__":
    import jax
    _d = setup_inputs()
    print(jax.jit(kernel)(*tuple(_d.values())))

</pallas_src>

<mosaic_0001>
#map = affine_map<(d0, d1) -> (0, 0)>
module attributes {stable_mosaic.version = 14 : i64} {
  func.func @k(%arg0: i32, %arg1: i32, %arg2: memref<20480x128xi32, #tpu.memory_space<hbm>>, %arg3: memref<20480x128xi32, #tpu.memory_space<hbm>>, %arg4: memref<20480x128xf32, #tpu.memory_space<hbm>>, %arg5: memref<16384x32xbf16, #tpu.memory_space<hbm>>, %arg6: memref<32768x32xf32, #tpu.memory_space<hbm>>, %arg7: memref<2x16x128xi32, #tpu.memory_space<vmem>>, %arg8: memref<2x16x128xi32, #tpu.memory_space<vmem>>, %arg9: memref<2x16x128xf32, #tpu.memory_space<vmem>>, %arg10: memref<8x128x32xbf16, #tpu.memory_space<vmem>>, %arg11: memref<8x128x32xf32, #tpu.memory_space<vmem>>, %arg12: memref<128x32xf32, #tpu.memory_space<vmem>>, %arg13: memref<16384x32xf32, #tpu.memory_space<vmem_shared>>, %arg14: memref<!tpu.dma_semaphore, #tpu.memory_space<semaphore_mem>>, %arg15: memref<!tpu.dma_semaphore, #tpu.memory_space<semaphore_mem>>, %arg16: memref<!tpu.dma_semaphore, #tpu.memory_space<semaphore_mem>>) attributes {dimension_semantics = [#tpu.dimension_semantics<core_parallel>, #tpu.dimension_semantics<subcore_parallel>], iteration_bounds = array<i64: 2, 16>, scalar_prefetch = 0 : i64, scratch_operands = 10 : i64, tpu.core_type = #tpu.core_type<sc_vector_subcore>, window_params = [{transform_indices = #map}, {transform_indices = #map}, {transform_indices = #map}, {transform_indices = #map}, {transform_indices = #map}]} {
    %mul3A = arith.constant 2 : i32
    %mul3A_0 = arith.muli %arg1, %mul3A : i32
    %add3A = arith.addi %mul3A_0, %arg0 : i32
    %broadcast_in_dim3A = arith.constant 0.000000e+00 : f32
    %broadcast_in_dim3A_1 = vector.broadcast %broadcast_in_dim3A : f32 to vector<16xf32>
    %scan3A = arith.constant 0 : i32
    %scan3A_2 = arith.constant 128 : i32
    %scan3A_3 = arith.addi %scan3A, %scan3A_2 : i32
    %scan3A_4 = arith.constant 1 : i32
    scf.for %scan3A_247 = %scan3A to %scan3A_3 step %scan3A_4  : i32 {
      %mul3A_248 = arith.constant 1 : i32
      %mul3A_249 = arith.muli %scan3A_247, %mul3A_248 : i32
      %add3A_250 = arith.constant 0 : i32
      %add3A_251 = arith.addi %add3A_250, %mul3A_249 : i32
      %swap3A = arith.index_cast %add3A_251 : i32 to index
      %swap3A_252 = arith.constant 0 : index
      %swap3A_253 = tpu.vector_load %arg12[%swap3A, %swap3A_252] {strides = array<i32>} : memref<128x32xf32, #tpu.memory_space<vmem>>, vector<16xf32>,
      tpu.vector_store %arg12[%swap3A, %swap3A_252], %broadcast_in_dim3A_1 {strides = array<i32>} : memref<128x32xf32, #tpu.memory_space<vmem>>, vector<16xf32>,
      %swap3A_254 = arith.index_cast %add3A_251 : i32 to index
      %swap3A_255 = arith.constant 16 : index
      %swap3A_256 = tpu.vector_load %arg12[%swap3A_254, %swap3A_255] {strides = array<i32>} : memref<128x32xf32, #tpu.memory_space<vmem>>, vector<16xf32>,
      tpu.vector_store %arg12[%swap3A_254, %swap3A_255], %broadcast_in_dim3A_1 {strides = array<i32>} : memref<128x32xf32, #tpu.memory_space<vmem>>, vector<16xf32>,
    }
    %scan3A_5 = arith.constant 128 : i32
    %mul3A_6 = arith.constant 1024 : i32
    %mul3A_7 = arith.muli %arg1, %mul3A_6 : i32
    %add3A_8 = arith.constant 0 : i32
    %add3A_9 = arith.addi %mul3A_7, %add3A_8 : i32
    "tpu.region"() ({
      %run_scoped3A = tpu.sem_alloc : memref<!tpu.dma_semaphore, #tpu.memory_space<semaphore_mem>>
      %dma_start3A_247 = arith.constant 0 : i32
      %dma_start3A_248 = tpu.memref_slice %arg13[%add3A_9, %dma_start3A_247] : memref<16384x32xf32, #tpu.memory_space<vmem_shared>> -> memref<128x32xf32, #tpu.memory_space<vmem_shared>>
      %dma_start3A_249 = arith.constant 0 : i32
      %dma_start3A_250 = tpu.memref_slice %arg13[%add3A_9, %dma_start3A_249] : memref<16384x32xf32, #tpu.memory_space<vmem_shared>> -> memref<128x32xf32, #tpu.memory_space<vmem_shared>>
      tpu.enqueue_dma source(%arg12 : memref<128x32xf32, #tpu.memory_space<vmem>>) target(%dma_start3A_250 : memref<128x32xf32, #tpu.memory_space<vmem_shared>>) target_semaphore(%run_scoped3A : memref<!tpu.dma_semaphore, #tpu.memory_space<semaphore_mem>>)
      %dma_wait3A_251 = arith.constant 0 : i32
      %dma_wait3A_252 = tpu.memref_slice %arg13[%add3A_9, %dma_wait3A_251] : memref<16384x32xf32, #tpu.memory_space<vmem_shared>> -> memref<128x32xf32, #tpu.memory_space<vmem_shared>>
      %dma_wait3A_253 = arith.constant 0 : i32
      %dma_wait3A_254 = tpu.memref_slice %arg13[%add3A_9, %dma_wait3A_253] : memref<16384x32xf32, #tpu.memory_space<vmem_shared>> -> memref<128x32xf32, #tpu.memory_space<vmem_shared>>
      tpu.wait_dma2 semaphore(%run_scoped3A : memref<!tpu.dma_semaphore, #tpu.memory_space<semaphore_mem>>) src(%arg12 : memref<128x32xf32, #tpu.memory_space<vmem>>) dst(%dma_wait3A_254 : memref<128x32xf32, #tpu.memory_space<vmem_shared>>)
      tpu.yield
    }) : () -> ()
    %mul3A_10 = arith.constant 1024 : i32
    %mul3A_11 = arith.muli %arg1, %mul3A_10 : i32
    %add3A_12 = arith.constant 128 : i32
    %add3A_13 = arith.addi %mul3A_11, %add3A_12 : i32
    "tpu.region"() ({
      %run_scoped3A = tpu.sem_alloc : memref<!tpu.dma_semaphore, #tpu.memory_space<semaphore_mem>>
      %dma_start3A_247 = arith.constant 0 : i32
      %dma_start3A_248 = tpu.memref_slice %arg13[%add3A_13, %dma_start3A_247] : memref<16384x32xf32, #tpu.memory_space<vmem_shared>> -> memref<128x32xf32, #tpu.memory_space<vmem_shared>>
      %dma_start3A_249 = arith.constant 0 : i32
      %dma_start3A_250 = tpu.memref_slice %arg13[%add3A_13, %dma_start3A_249] : memref<16384x32xf32, #tpu.memory_space<vmem_shared>> -> memref<128x32xf32, #tpu.memory_space<vmem_shared>>
      tpu.enqueue_dma source(%arg12 : memref<128x32xf32, #tpu.memory_space<vmem>>) target(%dma_start3A_250 : memref<128x32xf32, #tpu.memory_space<vmem_shared>>) target_semaphore(%run_scoped3A : memref<!tpu.dma_semaphore, #tpu.memory_space<semaphore_mem>>)
      %dma_wait3A_251 = arith.constant 0 : i32
      %dma_wait3A_252 = tpu.memref_slice %arg13[%add3A_13, %dma_wait3A_251] : memref<16384x32xf32, #tpu.memory_space<vmem_shared>> -> memref<128x32xf32, #tpu.memory_space<vmem_shared>>
      %dma_wait3A_253 = arith.constant 0 : i32
      %dma_wait3A_254 = tpu.memref_slice %arg13[%add3A_13, %dma_wait3A_253] : memref<16384x32xf32, #tpu.memory_space<vmem_shared>> -> memref<128x32xf32, #tpu.memory_space<vmem_shared>>
      tpu.wait_dma2 semaphore(%run_scoped3A : memref<!tpu.dma_semaphore, #tpu.memory_space<semaphore_mem>>) src(%arg12 : memref<128x32xf32, #tpu.memory_space<vmem>>) dst(%dma_wait3A_254 : memref<128x32xf32, #tpu.memory_space<vmem_shared>>)
      tpu.yield
    }) : () -> ()
    %mul3A_14 = arith.constant 1024 : i32
    %mul3A_15 = arith.muli %arg1, %mul3A_14 : i32
    %add3A_16 = arith.constant 256 : i32
    %add3A_17 = arith.addi %mul3A_15, %add3A_16 : i32
    "tpu.region"() ({
      %run_scoped3A = tpu.sem_alloc : memref<!tpu.dma_semaphore, #tpu.memory_space<semaphore_mem>>
      %dma_start3A_247 = arith.constant 0 : i32
      %dma_start3A_248 = tpu.memref_slice %arg13[%add3A_17, %dma_start3A_247] : memref<16384x32xf32, #tpu.memory_space<vmem_shared>> -> memref<128x32xf32, #tpu.memory_space<vmem_shared>>
      %dma_start3A_249 = arith.constant 0 : i32
      %dma_start3A_250 = tpu.memref_slice %arg13[%add3A_17, %dma_start3A_249] : memref<16384x32xf32, #tpu.memory_space<vmem_shared>> -> memref<128x32xf32, #tpu.memory_space<vmem_shared>>
      tpu.enqueue_dma source(%arg12 : memref<128x32xf32, #tpu.memory_space<vmem>>) target(%dma_start3A_250 : memref<128x32xf32, #tpu.memory_space<vmem_shared>>) target_semaphore(%run_scoped3A : memref<!tpu.dma_semaphore, #tpu.memory_space<semaphore_mem>>)
      %dma_wait3A_251 = arith.constant 0 : i32
      %dma_wait3A_252 = tpu.memref_slice %arg13[%add3A_17, %dma_wait3A_251] : memref<16384x32xf32, #tpu.memory_space<vmem_shared>> -> memref<128x32xf32, #tpu.memory_space<vmem_shared>>
      %dma_wait3A_253 = arith.constant 0 : i32
      %dma_wait3A_254 = tpu.memref_slice %arg13[%add3A_17, %dma_wait3A_253] : memref<16384x32xf32, #tpu.memory_space<vmem_shared>> -> memref<128x32xf32, #tpu.memory_space<vmem_shared>>
      tpu.wait_dma2 semaphore(%run_scoped3A : memref<!tpu.dma_semaphore, #tpu.memory_space<semaphore_mem>>) src(%arg12 : memref<128x32xf32, #tpu.memory_space<vmem>>) dst(%dma_wait3A_254 : memref<128x32xf32, #tpu.memory_space<vmem_shared>>)
      tpu.yield
    }) : () -> ()
    %mul3A_18 = arith.constant 1024 : i32
    %mul3A_19 = arith.muli %arg1, %mul3A_18 : i32
    %add3A_20 = arith.constant 384 : i32
    %add3A_21 = arith.addi %mul3A_19, %add3A_20 : i32
    "tpu.region"() ({
      %run_scoped3A = tpu.sem_alloc : memref<!tpu.dma_semaphore, #tpu.memory_space<semaphore_mem>>
      %dma_start3A_247 = arith.constant 0 : i32
      %dma_start3A_248 = tpu.memref_slice %arg13[%add3A_21, %dma_start3A_247] : memref<16384x32xf32, #tpu.memory_space<vmem_shared>> -> memref<128x32xf32, #tpu.memory_space<vmem_shared>>
      %dma_start3A_249 = arith.constant 0 : i32
      %dma_start3A_250 = tpu.memref_slice %arg13[%add3A_21, %dma_start3A_249] : memref<16384x32xf32, #tpu.memory_space<vmem_shared>> -> memref<128x32xf32, #tpu.memory_space<vmem_shared>>
      tpu.enqueue_dma source(%arg12 : memref<128x32xf32, #tpu.memory_space<vmem>>) target(%dma_start3A_250 : memref<128x32xf32, #tpu.memory_space<vmem_shared>>) target_semaphore(%run_scoped3A : memref<!tpu.dma_semaphore, #tpu.memory_space<semaphore_mem>>)
      %dma_wait3A_251 = arith.constant 0 : i32
      %dma_wait3A_252 = tpu.memref_slice %arg13[%add3A_21, %dma_wait3A_251] : memref<16384x32xf32, #tpu.memory_space<vmem_shared>> -> memref<128x32xf32, #tpu.memory_space<vmem_shared>>
      %dma_wait3A_253 = arith.constant 0 : i32
      %dma_wait3A_254 = tpu.memref_slice %arg13[%add3A_21, %dma_wait3A_253] : memref<16384x32xf32, #tpu.memory_space<vmem_shared>> -> memref<128x32xf32, #tpu.memory_space<vmem_shared>>
      tpu.wait_dma2 semaphore(%run_scoped3A : memref<!tpu.dma_semaphore, #tpu.memory_space<semaphore_mem>>) src(%arg12 : memref<128x32xf32, #tpu.memory_space<vmem>>) dst(%dma_wait3A_254 : memref<128x32xf32, #tpu.memory_space<vmem_shared>>)
      tpu.yield
    }) : () -> ()
    %mul3A_22 = arith.constant 1024 : i32
    %mul3A_23 = arith.muli %arg1, %mul3A_22 : i32
    %add3A_24 = arith.constant 512 : i32
    %add3A_25 = arith.addi %mul3A_23, %add3A_24 : i32
    "tpu.region"() ({
      %run_scoped3A = tpu.sem_alloc : memref<!tpu.dma_semaphore, #tpu.memory_space<semaphore_mem>>
      %dma_start3A_247 = arith.constant 0 : i32
      %dma_start3A_248 = tpu.memref_slice %arg13[%add3A_25, %dma_start3A_247] : memref<16384x32xf32, #tpu.memory_space<vmem_shared>> -> memref<128x32xf32, #tpu.memory_space<vmem_shared>>
      %dma_start3A_249 = arith.constant 0 : i32
      %dma_start3A_250 = tpu.memref_slice %arg13[%add3A_25, %dma_start3A_249] : memref<16384x32xf32, #tpu.memory_space<vmem_shared>> -> memref<128x32xf32, #tpu.memory_space<vmem_shared>>
      tpu.enqueue_dma source(%arg12 : memref<128x32xf32, #tpu.memory_space<vmem>>) target(%dma_start3A_250 : memref<128x32xf32, #tpu.memory_space<vmem_shared>>) target_semaphore(%run_scoped3A : memref<!tpu.dma_semaphore, #tpu.memory_space<semaphore_mem>>)
      %dma_wait3A_251 = arith.constant 0 : i32
      %dma_wait3A_252 = tpu.memref_slice %arg13[%add3A_25, %dma_wait3A_251] : memref<16384x32xf32, #tpu.memory_space<vmem_shared>> -> memref<128x32xf32, #tpu.memory_space<vmem_shared>>
      %dma_wait3A_253 = arith.constant 0 : i32
      %dma_wait3A_254 = tpu.memref_slice %arg13[%add3A_25, %dma_wait3A_253] : memref<16384x32xf32, #tpu.memory_space<vmem_shared>> -> memref<128x32xf32, #tpu.memory_space<vmem_shared>>
      tpu.wait_dma2 semaphore(%run_scoped3A : memref<!tpu.dma_semaphore, #tpu.memory_space<semaphore_mem>>) src(%arg12 : memref<128x32xf32, #tpu.memory_space<vmem>>) dst(%dma_wait3A_254 : memref<128x32xf32, #tpu.memory_space<vmem_shared>>)
      tpu.yield
    }) : () -> ()
    %mul3A_26 = arith.constant 1024 : i32
    %mul3A_27 = arith.muli %arg1, %mul3A_26 : i32
    %add3A_28 = arith.constant 640 : i32
    %add3A_29 = arith.addi %mul3A_27, %add3A_28 : i32
    "tpu.region"() ({
      %run_scoped3A = tpu.sem_alloc : memref<!tpu.dma_semaphore, #tpu.memory_space<semaphore_mem>>
      %dma_start3A_247 = arith.constant 0 : i32
      %dma_start3A_248 = tpu.memref_slice %arg13[%add3A_29, %dma_start3A_247] : memref<16384x32xf32, #tpu.memory_space<vmem_shared>> -> memref<128x32xf32, #tpu.memory_space<vmem_shared>>
      %dma_start3A_249 = arith.constant 0 : i32
      %dma_start3A_250 = tpu.memref_slice %arg13[%add3A_29, %dma_start3A_249] : memref<16384x32xf32, #tpu.memory_space<vmem_shared>> -> memref<128x32xf32, #tpu.memory_space<vmem_shared>>
      tpu.enqueue_dma source(%arg12 : memref<128x32xf32, #tpu.memory_space<vmem>>) target(%dma_start3A_250 : memref<128x32xf32, #tpu.memory_space<vmem_shared>>) target_semaphore(%run_scoped3A : memref<!tpu.dma_semaphore, #tpu.memory_space<semaphore_mem>>)
      %dma_wait3A_251 = arith.constant 0 : i32
      %dma_wait3A_252 = tpu.memref_slice %arg13[%add3A_29, %dma_wait3A_251] : memref<16384x32xf32, #tpu.memory_space<vmem_shared>> -> memref<128x32xf32, #tpu.memory_space<vmem_shared>>
      %dma_wait3A_253 = arith.constant 0 : i32
      %dma_wait3A_254 = tpu.memref_slice %arg13[%add3A_29, %dma_wait3A_253] : memref<16384x32xf32, #tpu.memory_space<vmem_shared>> -> memref<128x32xf32, #tpu.memory_space<vmem_shared>>
      tpu.wait_dma2 semaphore(%run_scoped3A : memref<!tpu.dma_semaphore, #tpu.memory_space<semaphore_mem>>) src(%arg12 : memref<128x32xf32, #tpu.memory_space<vmem>>) dst(%dma_wait3A_254 : memref<128x32xf32, #tpu.memory_space<vmem_shared>>)
      tpu.yield
    }) : () -> ()
    %mul3A_30 = arith.constant 1024 : i32
    %mul3A_31 = arith.muli %arg1, %mul3A_30 : i32
    %add3A_32 = arith.constant 768 : i32
    %add3A_33 = arith.addi %mul3A_31, %add3A_32 : i32
    "tpu.region"() ({
      %run_scoped3A = tpu.sem_alloc : memref<!tpu.dma_semaphore, #tpu.memory_space<semaphore_mem>>
      %dma_start3A_247 = arith.constant 0 : i32
      %dma_start3A_248 = tpu.memref_slice %arg13[%add3A_33, %dma_start3A_247] : memref<16384x32xf32, #tpu.memory_space<vmem_shared>> -> memref<128x32xf32, #tpu.memory_space<vmem_shared>>
      %dma_start3A_249 = arith.constant 0 : i32
      %dma_start3A_250 = tpu.memref_slice %arg13[%add3A_33, %dma_start3A_249] : memref<16384x32xf32, #tpu.memory_space<vmem_shared>> -> memref<128x32xf32, #tpu.memory_space<vmem_shared>>
      tpu.enqueue_dma source(%arg12 : memref<128x32xf32, #tpu.memory_space<vmem>>) target(%dma_start3A_250 : memref<128x32xf32, #tpu.memory_space<vmem_shared>>) target_semaphore(%run_scoped3A : memref<!tpu.dma_semaphore, #tpu.memory_space<semaphore_mem>>)
      %dma_wait3A_251 = arith.constant 0 : i32
      %dma_wait3A_252 = tpu.memref_slice %arg13[%add3A_33, %dma_wait3A_251] : memref<16384x32xf32, #tpu.memory_space<vmem_shared>> -> memref<128x32xf32, #tpu.memory_space<vmem_shared>>
      %dma_wait3A_253 = arith.constant 0 : i32
      %dma_wait3A_254 = tpu.memref_slice %arg13[%add3A_33, %dma_wait3A_253] : memref<16384x32xf32, #tpu.memory_space<vmem_shared>> -> memref<128x32xf32, #tpu.memory_space<vmem_shared>>
      tpu.wait_dma2 semaphore(%run_scoped3A : memref<!tpu.dma_semaphore, #tpu.memory_space<semaphore_mem>>) src(%arg12 : memref<128x32xf32, #tpu.memory_space<vmem>>) dst(%dma_wait3A_254 : memref<128x32xf32, #tpu.memory_space<vmem_shared>>)
      tpu.yield
    }) : () -> ()
    %mul3A_34 = arith.constant 1024 : i32
    %mul3A_35 = arith.muli %arg1, %mul3A_34 : i32
    %add3A_36 = arith.constant 896 : i32
    %add3A_37 = arith.addi %mul3A_35, %add3A_36 : i32
    "tpu.region"() ({
      %run_scoped3A = tpu.sem_alloc : memref<!tpu.dma_semaphore, #tpu.memory_space<semaphore_mem>>
      %dma_start3A_247 = arith.constant 0 : i32
      %dma_start3A_248 = tpu.memref_slice %arg13[%add3A_37, %dma_start3A_247] : memref<16384x32xf32, #tpu.memory_space<vmem_shared>> -> memref<128x32xf32, #tpu.memory_space<vmem_shared>>
      %dma_start3A_249 = arith.constant 0 : i32
      %dma_start3A_250 = tpu.memref_slice %arg13[%add3A_37, %dma_start3A_249] : memref<16384x32xf32, #tpu.memory_space<vmem_shared>> -> memref<128x32xf32, #tpu.memory_space<vmem_shared>>
      tpu.enqueue_dma source(%arg12 : memref<128x32xf32, #tpu.memory_space<vmem>>) target(%dma_start3A_250 : memref<128x32xf32, #tpu.memory_space<vmem_shared>>) target_semaphore(%run_scoped3A : memref<!tpu.dma_semaphore, #tpu.memory_space<semaphore_mem>>)
      %dma_wait3A_251 = arith.constant 0 : i32
      %dma_wait3A_252 = tpu.memref_slice %arg13[%add3A_37, %dma_wait3A_251] : memref<16384x32xf32, #tpu.memory_space<vmem_shared>> -> memref<128x32xf32, #tpu.memory_space<vmem_shared>>
      %dma_wait3A_253 = arith.constant 0 : i32
      %dma_wait3A_254 = tpu.memref_slice %arg13[%add3A_37, %dma_wait3A_253] : memref<16384x32xf32, #tpu.memory_space<vmem_shared>> -> memref<128x32xf32, #tpu.memory_space<vmem_shared>>
      tpu.wait_dma2 semaphore(%run_scoped3A : memref<!tpu.dma_semaphore, #tpu.memory_space<semaphore_mem>>) src(%arg12 : memref<128x32xf32, #tpu.memory_space<vmem>>) dst(%dma_wait3A_254 : memref<128x32xf32, #tpu.memory_space<vmem_shared>>)
      tpu.yield
    }) : () -> ()
    %barrier3A = arith.constant 0 : index
    tpu.barrier barrier_id(%barrier3A)
    %mul3A_38 = arith.constant 640 : i32
    %mul3A_39 = arith.muli %add3A, %mul3A_38 : i32
    %add3A_40 = arith.constant 0 : i32
    %add3A_41 = arith.addi %mul3A_39, %add3A_40 : i32
    %dma_start3A = arith.constant 0 : i32
    %dma_start3A_42 = arith.constant 0 : i32
    %dma_start3A_43 = arith.constant 0 : i32
    %dma_start3A_44 = tpu.memref_slice %arg7[%dma_start3A, %dma_start3A_42, %dma_start3A_43] : memref<2x16x128xi32, #tpu.memory_space<vmem>> -> memref<1x16x128xi32, #tpu.memory_space<vmem>>
    %dma_start3A_45 = tpu.memref_squeeze %dma_start3A_44 : memref<1x16x128xi32, #tpu.memory_space<vmem>> -> memref<16x128xi32, #tpu.memory_space<vmem>>
    %dma_start3A_46 = arith.constant 0 : i32
    %dma_start3A_47 = tpu.memref_slice %arg2[%add3A_41, %dma_start3A_46] : memref<20480x128xi32, #tpu.memory_space<hbm>> -> memref<16x128xi32, #tpu.memory_space<hbm>>
    %dma_start3A_48 = arith.constant 0 : i32
    %dma_start3A_49 = arith.constant 0 : i32
    %dma_start3A_50 = tpu.memref_slice %arg7[%dma_start3A, %dma_start3A_48, %dma_start3A_49] : memref<2x16x128xi32, #tpu.memory_space<vmem>> -> memref<1x16x128xi32, #tpu.memory_space<vmem>>
    %dma_start3A_51 = tpu.memref_squeeze %dma_start3A_50 : memref<1x16x128xi32, #tpu.memory_space<vmem>> -> memref<16x128xi32, #tpu.memory_space<vmem>>
    %dma_start3A_52 = arith.constant 0 : i32
    %dma_start3A_53 = tpu.memref_slice %arg2[%add3A_41, %dma_start3A_52] : memref<20480x128xi32, #tpu.memory_space<hbm>> -> memref<16x128xi32, #tpu.memory_space<hbm>>
    tpu.enqueue_dma source(%dma_start3A_53 : memref<16x128xi32, #tpu.memory_space<hbm>>) target(%dma_start3A_51 : memref<16x128xi32, #tpu.memory_space<vmem>>) target_semaphore(%arg14 : memref<!tpu.dma_semaphore, #tpu.memory_space<semaphore_mem>>)
    %add3A_54 = arith.constant 0 : i32
    %add3A_55 = arith.addi %mul3A_39, %add3A_54 : i32
    %dma_start3A_56 = arith.constant 0 : i32
    %dma_start3A_57 = arith.constant 0 : i32
    %dma_start3A_58 = arith.constant 0 : i32
    %dma_start3A_59 = tpu.memref_slice %arg8[%dma_start3A_56, %dma_start3A_57, %dma_start3A_58] : memref<2x16x128xi32, #tpu.memory_space<vmem>> -> memref<1x16x128xi32, #tpu.memory_space<vmem>>
    %dma_start3A_60 = tpu.memref_squeeze %dma_start3A_59 : memref<1x16x128xi32, #tpu.memory_space<vmem>> -> memref<16x128xi32, #tpu.memory_space<vmem>>
    %dma_start3A_61 = arith.constant 0 : i32
    %dma_start3A_62 = tpu.memref_slice %arg3[%add3A_55, %dma_start3A_61] : memref<20480x128xi32, #tpu.memory_space<hbm>> -> memref<16x128xi32, #tpu.memory_space<hbm>>
    %dma_start3A_63 = arith.constant 0 : i32
    %dma_start3A_64 = arith.constant 0 : i32
    %dma_start3A_65 = tpu.memref_slice %arg8[%dma_start3A_56, %dma_start3A_63, %dma_start3A_64] : memref<2x16x128xi32, #tpu.memory_space<vmem>> -> memref<1x16x128xi32, #tpu.memory_space<vmem>>
    %dma_start3A_66 = tpu.memref_squeeze %dma_start3A_65 : memref<1x16x128xi32, #tpu.memory_space<vmem>> -> memref<16x128xi32, #tpu.memory_space<vmem>>
    %dma_start3A_67 = arith.constant 0 : i32
    %dma_start3A_68 = tpu.memref_slice %arg3[%add3A_55, %dma_start3A_67] : memref<20480x128xi32, #tpu.memory_space<hbm>> -> memref<16x128xi32, #tpu.memory_space<hbm>>
    tpu.enqueue_dma source(%dma_start3A_68 : memref<16x128xi32, #tpu.memory_space<hbm>>) target(%dma_start3A_66 : memref<16x128xi32, #tpu.memory_space<vmem>>) target_semaphore(%arg14 : memref<!tpu.dma_semaphore, #tpu.memory_space<semaphore_mem>>)
    %add3A_69 = arith.constant 0 : i32
    %add3A_70 = arith.addi %mul3A_39, %add3A_69 : i32
    %dma_start3A_71 = arith.constant 0 : i32
    %dma_start3A_72 = arith.constant 0 : i32
    %dma_start3A_73 = arith.constant 0 : i32
    %dma_start3A_74 = tpu.memref_slice %arg9[%dma_start3A_71, %dma_start3A_72, %dma_start3A_73] : memref<2x16x128xf32, #tpu.memory_space<vmem>> -> memref<1x16x128xf32, #tpu.memory_space<vmem>>
    %dma_start3A_75 = tpu.memref_squeeze %dma_start3A_74 : memref<1x16x128xf32, #tpu.memory_space<vmem>> -> memref<16x128xf32, #tpu.memory_space<vmem>>
    %dma_start3A_76 = arith.constant 0 : i32
    %dma_start3A_77 = tpu.memref_slice %arg4[%add3A_70, %dma_start3A_76] : memref<20480x128xf32, #tpu.memory_space<hbm>> -> memref<16x128xf32, #tpu.memory_space<hbm>>
    %dma_start3A_78 = arith.constant 0 : i32
    %dma_start3A_79 = arith.constant 0 : i32
    %dma_start3A_80 = tpu.memref_slice %arg9[%dma_start3A_71, %dma_start3A_78, %dma_start3A_79] : memref<2x16x128xf32, #tpu.memory_space<vmem>> -> memref<1x16x128xf32, #tpu.memory_space<vmem>>
    %dma_start3A_81 = tpu.memref_squeeze %dma_start3A_80 : memref<1x16x128xf32, #tpu.memory_space<vmem>> -> memref<16x128xf32, #tpu.memory_space<vmem>>
    %dma_start3A_82 = arith.constant 0 : i32
    %dma_start3A_83 = tpu.memref_slice %arg4[%add3A_70, %dma_start3A_82] : memref<20480x128xf32, #tpu.memory_space<hbm>> -> memref<16x128xf32, #tpu.memory_space<hbm>>
    tpu.enqueue_dma source(%dma_start3A_83 : memref<16x128xf32, #tpu.memory_space<hbm>>) target(%dma_start3A_81 : memref<16x128xf32, #tpu.memory_space<vmem>>) target_semaphore(%arg14 : memref<!tpu.dma_semaphore, #tpu.memory_space<semaphore_mem>>)
    %dma_wait3A = arith.constant 0 : i32
    %dma_wait3A_84 = arith.constant 0 : i32
    %dma_wait3A_85 = arith.constant 0 : i32
    %dma_wait3A_86 = tpu.memref_slice %arg7[%dma_wait3A, %dma_wait3A_84, %dma_wait3A_85] : memref<2x16x128xi32, #tpu.memory_space<vmem>> -> memref<1x16x128xi32, #tpu.memory_space<vmem>>
    %dma_wait3A_87 = tpu.memref_squeeze %dma_wait3A_86 : memref<1x16x128xi32, #tpu.memory_space<vmem>> -> memref<16x128xi32, #tpu.memory_space<vmem>>
    %dma_wait3A_88 = arith.constant 0 : i32
    %dma_wait3A_89 = tpu.memref_slice %arg2[%mul3A_39, %dma_wait3A_88] : memref<20480x128xi32, #tpu.memory_space<hbm>> -> memref<16x128xi32, #tpu.memory_space<hbm>>
    %dma_wait3A_90 = arith.constant 0 : i32
    %dma_wait3A_91 = arith.constant 0 : i32
    %dma_wait3A_92 = tpu.memref_slice %arg7[%dma_wait3A, %dma_wait3A_90, %dma_wait3A_91] : memref<2x16x128xi32, #tpu.memory_space<vmem>> -> memref<1x16x128xi32, #tpu.memory_space<vmem>>
    %dma_wait3A_93 = tpu.memref_squeeze %dma_wait3A_92 : memref<1x16x128xi32, #tpu.memory_space<vmem>> -> memref<16x128xi32, #tpu.memory_space<vmem>>
    %dma_wait3A_94 = arith.constant 0 : i32
    %dma_wait3A_95 = tpu.memref_slice %arg2[%mul3A_39, %dma_wait3A_94] : memref<20480x128xi32, #tpu.memory_space<hbm>> -> memref<16x128xi32, #tpu.memory_space<hbm>>
    tpu.wait_dma2 semaphore(%arg14 : memref<!tpu.dma_semaphore, #tpu.memory_space<semaphore_mem>>) src(%dma_wait3A_95 : memref<16x128xi32, #tpu.memory_space<hbm>>) dst(%dma_wait3A_93 : memref<16x128xi32, #tpu.memory_space<vmem>>)
    %dma_wait3A_96 = arith.constant 0 : i32
    %dma_wait3A_97 = arith.constant 0 : i32
    %dma_wait3A_98 = arith.constant 0 : i32
    %dma_wait3A_99 = tpu.memref_slice %arg8[%dma_wait3A_96, %dma_wait3A_97, %dma_wait3A_98] : memref<2x16x128xi32, #tpu.memory_space<vmem>> -> memref<1x16x128xi32, #tpu.memory_space<vmem>>
    %dma_wait3A_100 = tpu.memref_squeeze %dma_wait3A_99 : memref<1x16x128xi32, #tpu.memory_space<vmem>> -> memref<16x128xi32, #tpu.memory_space<vmem>>
    %dma_wait3A_101 = arith.constant 0 : i32
    %dma_wait3A_102 = tpu.memref_slice %arg3[%mul3A_39, %dma_wait3A_101] : memref<20480x128xi32, #tpu.memory_space<hbm>> -> memref<16x128xi32, #tpu.memory_space<hbm>>
    %dma_wait3A_103 = arith.constant 0 : i32
    %dma_wait3A_104 = arith.constant 0 : i32
    %dma_wait3A_105 = tpu.memref_slice %arg8[%dma_wait3A_96, %dma_wait3A_103, %dma_wait3A_104] : memref<2x16x128xi32, #tpu.memory_space<vmem>> -> memref<1x16x128xi32, #tpu.memory_space<vmem>>
    %dma_wait3A_106 = tpu.memref_squeeze %dma_wait3A_105 : memref<1x16x128xi32, #tpu.memory_space<vmem>> -> memref<16x128xi32, #tpu.memory_space<vmem>>
    %dma_wait3A_107 = arith.constant 0 : i32
    %dma_wait3A_108 = tpu.memref_slice %arg3[%mul3A_39, %dma_wait3A_107] : memref<20480x128xi32, #tpu.memory_space<hbm>> -> memref<16x128xi32, #tpu.memory_space<hbm>>
    tpu.wait_dma2 semaphore(%arg14 : memref<!tpu.dma_semaphore, #tpu.memory_space<semaphore_mem>>) src(%dma_wait3A_108 : memref<16x128xi32, #tpu.memory_space<hbm>>) dst(%dma_wait3A_106 : memref<16x128xi32, #tpu.memory_space<vmem>>)
    %dma_wait3A_109 = arith.constant 0 : i32
    %dma_wait3A_110 = arith.constant 0 : i32
    %dma_wait3A_111 = arith.constant 0 : i32
    %dma_wait3A_112 = tpu.memref_slice %arg9[%dma_wait3A_109, %dma_wait3A_110, %dma_wait3A_111] : memref<2x16x128xf32, #tpu.memory_space<vmem>> -> memref<1x16x128xf32, #tpu.memory_space<vmem>>
    %dma_wait3A_113 = tpu.memref_squeeze %dma_wait3A_112 : memref<1x16x128xf32, #tpu.memory_space<vmem>> -> memref<16x128xf32, #tpu.memory_space<vmem>>
    %dma_wait3A_114 = arith.constant 0 : i32
    %dma_wait3A_115 = tpu.memref_slice %arg4[%mul3A_39, %dma_wait3A_114] : memref<20480x128xf32, #tpu.memory_space<hbm>> -> memref<16x128xf32, #tpu.memory_space<hbm>>
    %dma_wait3A_116 = arith.constant 0 : i32
    %dma_wait3A_117 = arith.constant 0 : i32
    %dma_wait3A_118 = tpu.memref_slice %arg9[%dma_wait3A_109, %dma_wait3A_116, %dma_wait3A_117] : memref<2x16x128xf32, #tpu.memory_space<vmem>> -> memref<1x16x128xf32, #tpu.memory_space<vmem>>
    %dma_wait3A_119 = tpu.memref_squeeze %dma_wait3A_118 : memref<1x16x128xf32, #tpu.memory_space<vmem>> -> memref<16x128xf32, #tpu.memory_space<vmem>>
    %dma_wait3A_120 = arith.constant 0 : i32
    %dma_wait3A_121 = tpu.memref_slice %arg4[%mul3A_39, %dma_wait3A_120] : memref<20480x128xf32, #tpu.memory_space<hbm>> -> memref<16x128xf32, #tpu.memory_space<hbm>>
    tpu.wait_dma2 semaphore(%arg14 : memref<!tpu.dma_semaphore, #tpu.memory_space<semaphore_mem>>) src(%dma_wait3A_121 : memref<16x128xf32, #tpu.memory_space<hbm>>) dst(%dma_wait3A_119 : memref<16x128xf32, #tpu.memory_space<vmem>>)
    %dma_start3A_122 = arith.constant 0 : i32
    %dma_start3A_123 = arith.constant 0 : i32
    %dma_start3A_124 = arith.constant 0 : i32
    %dma_start3A_125 = arith.constant 0 : i32
    %dma_start3A_126 = arith.constant 0 : i32
    %dma_start3A_127 = tpu.memref_slice %arg10[%dma_start3A_124, %dma_start3A_125, %dma_start3A_126] : memref<8x128x32xbf16, #tpu.memory_space<vmem>> -> memref<1x128x32xbf16, #tpu.memory_space<vmem>>
    %dma_start3A_128 = tpu.memref_squeeze %dma_start3A_127 : memref<1x128x32xbf16, #tpu.memory_space<vmem>> -> memref<128x32xbf16, #tpu.memory_space<vmem>>
    %dma_start3A_129 = arith.constant 0 : i32
    %dma_start3A_130 = tpu.memref_slice %arg7[%dma_start3A_122, %dma_start3A_123, %dma_start3A_129] : memref<2x16x128xi32, #tpu.memory_space<vmem>> -> memref<1x1x128xi32, #tpu.memory_space<vmem>>
    %dma_start3A_131 = tpu.memref_squeeze %dma_start3A_130 : memref<1x1x128xi32, #tpu.memory_space<vmem>> -> memref<128xi32, #tpu.memory_space<vmem>>
    %dma_start3A_132 = arith.constant 0 : i32
    %dma_start3A_133 = arith.constant 0 : i32
    %dma_start3A_134 = tpu.memref_slice %arg5[%dma_start3A_132, %dma_start3A_133] : memref<16384x32xbf16, #tpu.memory_space<hbm>> -> memref<16384x32xbf16, #tpu.memory_space<hbm>>
    tpu.enqueue_indirect_dma source(%dma_start3A_134 : memref<16384x32xbf16, #tpu.memory_space<hbm>>) target(%dma_start3A_128 : memref<128x32xbf16, #tpu.memory_space<vmem>>) offsets(%dma_start3A_131 : memref<128xi32, #tpu.memory_space<vmem>>) semaphore(%arg15 : memref<!tpu.dma_semaphore, #tpu.memory_space<semaphore_mem>>)
    %dma_start3A_135 = arith.constant 0 : i32
    %dma_start3A_136 = arith.constant 1 : i32
    %dma_start3A_137 = arith.constant 1 : i32
    %dma_start3A_138 = arith.constant 0 : i32
    %dma_start3A_139 = arith.constant 0 : i32
    %dma_start3A_140 = tpu.memref_slice %arg10[%dma_start3A_137, %dma_start3A_138, %dma_start3A_139] : memref<8x128x32xbf16, #tpu.memory_space<vmem>> -> memref<1x128x32xbf16, #tpu.memory_space<vmem>>
    %dma_start3A_141 = tpu.memref_squeeze %dma_start3A_140 : memref<1x128x32xbf16, #tpu.memory_space<vmem>> -> memref<128x32xbf16, #tpu.memory_space<vmem>>
    %dma_start3A_142 = arith.constant 0 : i32
    %dma_start3A_143 = tpu.memref_slice %arg7[%dma_start3A_135, %dma_start3A_136, %dma_start3A_142] : memref<2x16x128xi32, #tpu.memory_space<vmem>> -> memref<1x1x128xi32, #tpu.memory_space<vmem>>
    %dma_start3A_144 = tpu.memref_squeeze %dma_start3A_143 : memref<1x1x128xi32, #tpu.memory_space<vmem>> -> memref<128xi32, #tpu.memory_space<vmem>>
    %dma_start3A_145 = arith.constant 0 : i32
    %dma_start3A_146 = arith.constant 0 : i32
    %dma_start3A_147 = tpu.memref_slice %arg5[%dma_start3A_145, %dma_start3A_146] : memref<16384x32xbf16, #tpu.memory_space<hbm>> -> memref<16384x32xbf16, #tpu.memory_space<hbm>>
    tpu.enqueue_indirect_dma source(%dma_start3A_147 : memref<16384x32xbf16, #tpu.memory_space<hbm>>) target(%dma_start3A_141 : memref<128x32xbf16, #tpu.memory_space<vmem>>) offsets(%dma_start3A_144 : memref<128xi32, #tpu.memory_space<vmem>>) semaphore(%arg15 : memref<!tpu.dma_semaphore, #tpu.memory_space<semaphore_mem>>)
    %dma_start3A_148 = arith.constant 0 : i32
    %dma_start3A_149 = arith.constant 2 : i32
    %dma_start3A_150 = arith.constant 2 : i32
    %dma_start3A_151 = arith.constant 0 : i32
    %dma_start3A_152 = arith.constant 0 : i32
    %dma_start3A_153 = tpu.memref_slice %arg10[%dma_start3A_150, %dma_start3A_151, %dma_start3A_152] : memref<8x128x32xbf16, #tpu.memory_space<vmem>> -> memref<1x128x32xbf16, #tpu.memory_space<vmem>>
    %dma_start3A_154 = tpu.memref_squeeze %dma_start3A_153 : memref<1x128x32xbf16, #tpu.memory_space<vmem>> -> memref<128x32xbf16, #tpu.memory_space<vmem>>
    %dma_start3A_155 = arith.constant 0 : i32
    %dma_start3A_156 = tpu.memref_slice %arg7[%dma_start3A_148, %dma_start3A_149, %dma_start3A_155] : memref<2x16x128xi32, #tpu.memory_space<vmem>> -> memref<1x1x128xi32, #tpu.memory_space<vmem>>
    %dma_start3A_157 = tpu.memref_squeeze %dma_start3A_156 : memref<1x1x128xi32, #tpu.memory_space<vmem>> -> memref<128xi32, #tpu.memory_space<vmem>>
    %dma_start3A_158 = arith.constant 0 : i32
    %dma_start3A_159 = arith.constant 0 : i32
    %dma_start3A_160 = tpu.memref_slice %arg5[%dma_start3A_158, %dma_start3A_159] : memref<16384x32xbf16, #tpu.memory_space<hbm>> -> memref<16384x32xbf16, #tpu.memory_space<hbm>>
    tpu.enqueue_indirect_dma source(%dma_start3A_160 : memref<16384x32xbf16, #tpu.memory_space<hbm>>) target(%dma_start3A_154 : memref<128x32xbf16, #tpu.memory_space<vmem>>) offsets(%dma_start3A_157 : memref<128xi32, #tpu.memory_space<vmem>>) semaphore(%arg15 : memref<!tpu.dma_semaphore, #tpu.memory_space<semaphore_mem>>)
    %dma_start3A_161 = arith.constant 0 : i32
    %dma_start3A_162 = arith.constant 3 : i32
    %dma_start3A_163 = arith.constant 3 : i32
    %dma_start3A_164 = arith.constant 0 : i32
    %dma_start3A_165 = arith.constant 0 : i32
    %dma_start3A_166 = tpu.memref_slice %arg10[%dma_start3A_163, %dma_start3A_164, %dma_start3A_165] : memref<8x128x32xbf16, #tpu.memory_space<vmem>> -> memref<1x128x32xbf16, #tpu.memory_space<vmem>>
    %dma_start3A_167 = tpu.memref_squeeze %dma_start3A_166 : memref<1x128x32xbf16, #tpu.memory_space<vmem>> -> memref<128x32xbf16, #tpu.memory_space<vmem>>
    %dma_start3A_168 = arith.constant 0 : i32
    %dma_start3A_169 = tpu.memref_slice %arg7[%dma_start3A_161, %dma_start3A_162, %dma_start3A_168] : memref<2x16x128xi32, #tpu.memory_space<vmem>> -> memref<1x1x128xi32, #tpu.memory_space<vmem>>
    %dma_start3A_170 = tpu.memref_squeeze %dma_start3A_169 : memref<1x1x128xi32, #tpu.memory_space<vmem>> -> memref<128xi32, #tpu.memory_space<vmem>>
    %dma_start3A_171 = arith.constant 0 : i32
    %dma_start3A_172 = arith.constant 0 : i32
    %dma_start3A_173 = tpu.memref_slice %arg5[%dma_start3A_171, %dma_start3A_172] : memref<16384x32xbf16, #tpu.memory_space<hbm>> -> memref<16384x32xbf16, #tpu.memory_space<hbm>>
    tpu.enqueue_indirect_dma source(%dma_start3A_173 : memref<16384x32xbf16, #tpu.memory_space<hbm>>) target(%dma_start3A_167 : memref<128x32xbf16, #tpu.memory_space<vmem>>) offsets(%dma_start3A_170 : memref<128xi32, #tpu.memory_space<vmem>>) semaphore(%arg15 : memref<!tpu.dma_semaphore, #tpu.memory_space<semaphore_mem>>)
    %scan3A_174 = arith.constant 0 : i32
    %scan3A_175 = arith.constant 640 : i32
    %scan3A_176 = arith.addi %scan3A_174, %scan3A_175 : i32
    %scan3A_177 = arith.constant 1 : i32
    scf.for %scan3A_247 = %scan3A_174 to %scan3A_176 step %scan3A_177  : i32 {
      %mul3A_248 = arith.constant 1 : i32
      %mul3A_249 = arith.muli %scan3A_247, %mul3A_248 : i32
      %add3A_250 = arith.constant 0 : i32
      %add3A_251 = arith.addi %add3A_250, %mul3A_249 : i32
      %rem3A = arith.constant 8 : i32
      %rem3A_252 = arith.remsi %add3A_251, %rem3A : i32
      %div3A = arith.constant 16 : i32
      %div3A_253 = arith.divsi %add3A_251, %div3A : i32
      %rem3A_254 = arith.constant 16 : i32
      %rem3A_255 = arith.remsi %add3A_251, %rem3A_254 : i32
      %rem3A_256 = arith.constant 2 : i32
      %rem3A_257 = arith.remsi %div3A_253, %rem3A_256 : i32
      %eq3A = arith.constant 0 : i32
      %eq3A_258 = arith.cmpi eq, %rem3A_255, %eq3A : i32
      %add3A_259 = arith.constant 1 : i32
      %add3A_260 = arith.addi %div3A_253, %add3A_259 : i32
      %lt3A = arith.constant 40 : i32
      %lt3A_261 = arith.cmpi slt, %add3A_260, %lt3A : i32
      %and3A = arith.andi %eq3A_258, %lt3A_261 : i1
      %convert_element_type3A = arith.extui %and3A : i1 to i32
      %cond3A = arith.constant 0 : i32
      %cond3A_262 = arith.cmpi ne, %convert_element_type3A, %cond3A : i32
      scf.if %cond3A_262 {
        %add3A_303 = arith.constant 1 : i32
        %add3A_304 = arith.addi %div3A_253, %add3A_303 : i32
        %add3A_305 = arith.constant 1 : i32
        %add3A_306 = arith.addi %div3A_253, %add3A_305 : i32
        %rem3A_307 = arith.constant 2 : i32
        %rem3A_308 = arith.remsi %add3A_306, %rem3A_307 : i32
        %mul3A_309 = arith.constant 16 : i32
        %mul3A_310 = arith.muli %add3A_304, %mul3A_309 : i32
        %add3A_311 = arith.addi %mul3A_39, %mul3A_310 : i32
        %dma_start3A_312 = arith.constant 0 : i32
        %dma_start3A_313 = arith.constant 0 : i32
        %dma_start3A_314 = tpu.memref_slice %arg7[%rem3A_308, %dma_start3A_312, %dma_start3A_313] : memref<2x16x128xi32, #tpu.memory_space<vmem>> -> memref<1x16x128xi32, #tpu.memory_space<vmem>>
        %dma_start3A_315 = tpu.memref_squeeze %dma_start3A_314 : memref<1x16x128xi32, #tpu.memory_space<vmem>> -> memref<16x128xi32, #tpu.memory_space<vmem>>
        %dma_start3A_316 = arith.constant 0 : i32
        %dma_start3A_317 = tpu.memref_slice %arg2[%add3A_311, %dma_start3A_316] : memref<20480x128xi32, #tpu.memory_space<hbm>> -> memref<16x128xi32, #tpu.memory_space<hbm>>
        %dma_start3A_318 = arith.constant 0 : i32
        %dma_start3A_319 = arith.constant 0 : i32
        %dma_start3A_320 = tpu.memref_slice %arg7[%rem3A_308, %dma_start3A_318, %dma_start3A_319] : memref<2x16x128xi32, #tpu.memory_space<vmem>> -> memref<1x16x128xi32, #tpu.memory_space<vmem>>
        %dma_start3A_321 = tpu.memref_squeeze %dma_start3A_320 : memref<1x16x128xi32, #tpu.memory_space<vmem>> -> memref<16x128xi32, #tpu.memory_space<vmem>>
        %dma_start3A_322 = arith.constant 0 : i32
        %dma_start3A_323 = tpu.memref_slice %arg2[%add3A_311, %dma_start3A_322] : memref<20480x128xi32, #tpu.memory_space<hbm>> -> memref<16x128xi32, #tpu.memory_space<hbm>>
        tpu.enqueue_dma source(%dma_start3A_323 : memref<16x128xi32, #tpu.memory_space<hbm>>) target(%dma_start3A_321 : memref<16x128xi32, #tpu.memory_space<vmem>>) target_semaphore(%arg14 : memref<!tpu.dma_semaphore, #tpu.memory_space<semaphore_mem>>)
        %mul3A_324 = arith.constant 16 : i32
        %mul3A_325 = arith.muli %add3A_304, %mul3A_324 : i32
        %add3A_326 = arith.addi %mul3A_39, %mul3A_325 : i32
        %dma_start3A_327 = arith.constant 0 : i32
        %dma_start3A_328 = arith.constant 0 : i32
        %dma_start3A_329 = tpu.memref_slice %arg8[%rem3A_308, %dma_start3A_327, %dma_start3A_328] : memref<2x16x128xi32, #tpu.memory_space<vmem>> -> memref<1x16x128xi32, #tpu.memory_space<vmem>>
        %dma_start3A_330 = tpu.memref_squeeze %dma_start3A_329 : memref<1x16x128xi32, #tpu.memory_space<vmem>> -> memref<16x128xi32, #tpu.memory_space<vmem>>
        %dma_start3A_331 = arith.constant 0 : i32
        %dma_start3A_332 = tpu.memref_slice %arg3[%add3A_326, %dma_start3A_331] : memref<20480x128xi32, #tpu.memory_space<hbm>> -> memref<16x128xi32, #tpu.memory_space<hbm>>
        %dma_start3A_333 = arith.constant 0 : i32
        %dma_start3A_334 = arith.constant 0 : i32
        %dma_start3A_335 = tpu.memref_slice %arg8[%rem3A_308, %dma_start3A_333, %dma_start3A_334] : memref<2x16x128xi32, #tpu.memory_space<vmem>> -> memref<1x16x128xi32, #tpu.memory_space<vmem>>
        %dma_start3A_336 = tpu.memref_squeeze %dma_start3A_335 : memref<1x16x128xi32, #tpu.memory_space<vmem>> -> memref<16x128xi32, #tpu.memory_space<vmem>>
        %dma_start3A_337 = arith.constant 0 : i32
        %dma_start3A_338 = tpu.memref_slice %arg3[%add3A_326, %dma_start3A_337] : memref<20480x128xi32, #tpu.memory_space<hbm>> -> memref<16x128xi32, #tpu.memory_space<hbm>>
        tpu.enqueue_dma source(%dma_start3A_338 : memref<16x128xi32, #tpu.memory_space<hbm>>) target(%dma_start3A_336 : memref<16x128xi32, #tpu.memory_space<vmem>>) target_semaphore(%arg14 : memref<!tpu.dma_semaphore, #tpu.memory_space<semaphore_mem>>)
        %mul3A_339 = arith.constant 16 : i32
        %mul3A_340 = arith.muli %add3A_304, %mul3A_339 : i32
        %add3A_341 = arith.addi %mul3A_39, %mul3A_340 : i32
        %dma_start3A_342 = arith.constant 0 : i32
        %dma_start3A_343 = arith.constant 0 : i32
        %dma_start3A_344 = tpu.memref_slice %arg9[%rem3A_308, %dma_start3A_342, %dma_start3A_343] : memref<2x16x128xf32, #tpu.memory_space<vmem>> -> memref<1x16x128xf32, #tpu.memory_space<vmem>>
        %dma_start3A_345 = tpu.memref_squeeze %dma_start3A_344 : memref<1x16x128xf32, #tpu.memory_space<vmem>> -> memref<16x128xf32, #tpu.memory_space<vmem>>
        %dma_start3A_346 = arith.constant 0 : i32
        %dma_start3A_347 = tpu.memref_slice %arg4[%add3A_341, %dma_start3A_346] : memref<20480x128xf32, #tpu.memory_space<hbm>> -> memref<16x128xf32, #tpu.memory_space<hbm>>
        %dma_start3A_348 = arith.constant 0 : i32
        %dma_start3A_349 = arith.constant 0 : i32
        %dma_start3A_350 = tpu.memref_slice %arg9[%rem3A_308, %dma_start3A_348, %dma_start3A_349] : memref<2x16x128xf32, #tpu.memory_space<vmem>> -> memref<1x16x128xf32, #tpu.memory_space<vmem>>
        %dma_start3A_351 = tpu.memref_squeeze %dma_start3A_350 : memref<1x16x128xf32, #tpu.memory_space<vmem>> -> memref<16x128xf32, #tpu.memory_space<vmem>>
        %dma_start3A_352 = arith.constant 0 : i32
        %dma_start3A_353 = tpu.memref_slice %arg4[%add3A_341, %dma_start3A_352] : memref<20480x128xf32, #tpu.memory_space<hbm>> -> memref<16x128xf32, #tpu.memory_space<hbm>>
        tpu.enqueue_dma source(%dma_start3A_353 : memref<16x128xf32, #tpu.memory_space<hbm>>) target(%dma_start3A_351 : memref<16x128xf32, #tpu.memory_space<vmem>>) target_semaphore(%arg14 : memref<!tpu.dma_semaphore, #tpu.memory_space<semaphore_mem>>)
      } else {
      }
      %dma_wait3A_263 = arith.constant 0 : i32
      %dma_wait3A_264 = arith.constant 0 : i32
      %dma_wait3A_265 = tpu.memref_slice %arg10[%rem3A_252, %dma_wait3A_263, %dma_wait3A_264] : memref<8x128x32xbf16, #tpu.memory_space<vmem>> -> memref<1x128x32xbf16, #tpu.memory_space<vmem>>
      %dma_wait3A_266 = tpu.memref_squeeze %dma_wait3A_265 : memref<1x128x32xbf16, #tpu.memory_space<vmem>> -> memref<128x32xbf16, #tpu.memory_space<vmem>>
      %dma_wait3A_267 = arith.constant 0 : i32
      %dma_wait3A_268 = arith.constant 0 : i32
      %dma_wait3A_269 = tpu.memref_slice %arg5[%dma_wait3A_267, %dma_wait3A_268] : memref<16384x32xbf16, #tpu.memory_space<hbm>> -> memref<128x32xbf16, #tpu.memory_space<hbm>>
      %dma_wait3A_270 = arith.constant 0 : i32
      %dma_wait3A_271 = arith.constant 0 : i32
      %dma_wait3A_272 = tpu.memref_slice %arg10[%rem3A_252, %dma_wait3A_270, %dma_wait3A_271] : memref<8x128x32xbf16, #tpu.memory_space<vmem>> -> memref<1x128x32xbf16, #tpu.memory_space<vmem>>
      %dma_wait3A_273 = tpu.memref_squeeze %dma_wait3A_272 : memref<1x128x32xbf16, #tpu.memory_space<vmem>> -> memref<128x32xbf16, #tpu.memory_space<vmem>>
      %dma_wait3A_274 = arith.constant 0 : i32
      %dma_wait3A_275 = arith.constant 0 : i32
      %dma_wait3A_276 = tpu.memref_slice %arg5[%dma_wait3A_274, %dma_wait3A_275] : memref<16384x32xbf16, #tpu.memory_space<hbm>> -> memref<128x32xbf16, #tpu.memory_space<hbm>>
      tpu.wait_dma2 semaphore(%arg15 : memref<!tpu.dma_semaphore, #tpu.memory_space<semaphore_mem>>) src(%dma_wait3A_276 : memref<128x32xbf16, #tpu.memory_space<hbm>>) dst(%dma_wait3A_273 : memref<128x32xbf16, #tpu.memory_space<vmem>>)
      %scan3A_277 = arith.constant 0 : i32
      %scan3A_278 = arith.constant 8 : i32
      %scan3A_279 = arith.addi %scan3A_277, %scan3A_278 : i32
      %scan3A_280 = arith.constant 1 : i32
      scf.for %scan3A_303 = %scan3A_277 to %scan3A_279 step %scan3A_280  : i32 {
        %mul3A_304 = arith.constant 1 : i32
        %mul3A_305 = arith.muli %scan3A_303, %mul3A_304 : i32
        %add3A_306 = arith.constant 0 : i32
        %add3A_307 = arith.addi %add3A_306, %mul3A_305 : i32
        %mul3A_308 = arith.constant 16 : i32
        %mul3A_309 = arith.muli %add3A_307, %mul3A_308 : i32
        %get3A = arith.index_cast %rem3A_257 : i32 to index
        %get3A_310 = arith.index_cast %rem3A_255 : i32 to index
        %get3A_311 = arith.index_cast %mul3A_309 : i32 to index
        %get3A_312 = tpu.vector_load %arg9[%get3A, %get3A_310, %get3A_311] {strides = array<i32>} : memref<2x16x128xf32, #tpu.memory_space<vmem>>, vector<16xf32>,
        %slice3A = vector.extract_strided_slice %get3A_312 {offsets = [0], sizes = [1], strides = [1]} : vector<16xf32> to vector<1xf32>
        %squeeze3A = vector.extract %slice3A[0] : f32 from vector<1xf32>
        %mul3A_313 = arith.constant 16 : i32
        %mul3A_314 = arith.muli %add3A_307, %mul3A_313 : i32
        %add3A_315 = arith.constant 0 : i32
        %add3A_316 = arith.addi %mul3A_314, %add3A_315 : i32
        %get3A_317 = arith.index_cast %rem3A_252 : i32 to index
        %get3A_318 = arith.index_cast %add3A_316 : i32 to index
        %get3A_319 = arith.constant 0 : index
        %get3A_320 = tpu.vector_load %arg10[%get3A_317, %get3A_318, %get3A_319] {strides = array<i32>} : memref<8x128x32xbf16, #tpu.memory_space<vmem>>, vector<32xbf16>,
        %unpack3A = tpu.unpack_subelements %get3A_320, 0 {pack_format = #tpu.pack_format<interleaved>} : vector<32xbf16> -> vector<16xf32>
        %unpack3A_321 = tpu.unpack_subelements %get3A_320, 1 {pack_format = #tpu.pack_format<interleaved>} : vector<32xbf16> -> vector<16xf32>
        %mul3A_322 = vector.broadcast %squeeze3A : f32 to vector<16xf32>
        %mul3A_323 = arith.mulf %unpack3A, %mul3A_322 : vector<16xf32>
        %swap3A = arith.index_cast %rem3A_252 : i32 to index
        %swap3A_324 = arith.index_cast %add3A_316 : i32 to index
        %swap3A_325 = arith.constant 0 : index
        %swap3A_326 = tpu.vector_load %arg11[%swap3A, %swap3A_324, %swap3A_325] {strides = array<i32>} : memref<8x128x32xf32, #tpu.memory_space<vmem>>, vector<16xf32>,
        tpu.vector_store %arg11[%swap3A, %swap3A_324, %swap3A_325], %mul3A_323 {strides = array<i32>} : memref<8x128x32xf32, #tpu.memory_space<vmem>>, vector<16xf32>,
        %mul3A_327 = vector.broadcast %squeeze3A : f32 to vector<16xf32>
        %mul3A_328 = arith.mulf %unpack3A_321, %mul3A_327 : vector<16xf32>
        %swap3A_329 = arith.index_cast %rem3A_252 : i32 to index
        %swap3A_330 = arith.index_cast %add3A_316 : i32 to index
        %swap3A_331 = arith.constant 16 : index
        %swap3A_332 = tpu.vector_load %arg11[%swap3A_329, %swap3A_330, %swap3A_331] {strides = array<i32>} : memref<8x128x32xf32, #tpu.memory_space<vmem>>, vector<16xf32>,
        tpu.vector_store %arg11[%swap3A_329, %swap3A_330, %swap3A_331], %mul3A_328 {strides = array<i32>} : memref<8x128x32xf32, #tpu.memory_space<vmem>>, vector<16xf32>,
        %slice3A_333 = vector.extract_strided_slice %get3A_312 {offsets = [1], sizes = [1], strides = [1]} : vector<16xf32> to vector<1xf32>
        %squeeze3A_334 = vector.extract %slice3A_333[0] : f32 from vector<1xf32>
        %mul3A_335 = arith.constant 16 : i32
        %mul3A_336 = arith.muli %add3A_307, %mul3A_335 : i32
        %add3A_337 = arith.constant 1 : i32
        %add3A_338 = arith.addi %mul3A_336, %add3A_337 : i32
        %get3A_339 = arith.index_cast %rem3A_252 : i32 to index
        %get3A_340 = arith.index_cast %add3A_338 : i32 to index
        %get3A_341 = arith.constant 0 : index
        %get3A_342 = tpu.vector_load %arg10[%get3A_339, %get3A_340, %get3A_341] {strides = array<i32>} : memref<8x128x32xbf16, #tpu.memory_space<vmem>>, vector<32xbf16>,
        %unpack3A_343 = tpu.unpack_subelements %get3A_342, 0 {pack_format = #tpu.pack_format<interleaved>} : vector<32xbf16> -> vector<16xf32>
        %unpack3A_344 = tpu.unpack_subelements %get3A_342, 1 {pack_format = #tpu.pack_format<interleaved>} : vector<32xbf16> -> vector<16xf32>
        %mul3A_345 = vector.broadcast %squeeze3A_334 : f32 to vector<16xf32>
        %mul3A_346 = arith.mulf %unpack3A_343, %mul3A_345 : vector<16xf32>
        %swap3A_347 = arith.index_cast %rem3A_252 : i32 to index
        %swap3A_348 = arith.index_cast %add3A_338 : i32 to index
        %swap3A_349 = arith.constant 0 : index
        %swap3A_350 = tpu.vector_load %arg11[%swap3A_347, %swap3A_348, %swap3A_349] {strides = array<i32>} : memref<8x128x32xf32, #tpu.memory_space<vmem>>, vector<16xf32>,
        tpu.vector_store %arg11[%swap3A_347, %swap3A_348, %swap3A_349], %mul3A_346 {strides = array<i32>} : memref<8x128x32xf32, #tpu.memory_space<vmem>>, vector<16xf32>,
        %mul3A_351 = vector.broadcast %squeeze3A_334 : f32 to vector<16xf32>
        %mul3A_352 = arith.mulf %unpack3A_344, %mul3A_351 : vector<16xf32>
        %swap3A_353 = arith.index_cast %rem3A_252 : i32 to index
        %swap3A_354 = arith.index_cast %add3A_338 : i32 to index
        %swap3A_355 = arith.constant 16 : index
        %swap3A_356 = tpu.vector_load %arg11[%swap3A_353, %swap3A_354, %swap3A_355] {strides = array<i32>} : memref<8x128x32xf32, #tpu.memory_space<vmem>>, vector<16xf32>,
        tpu.vector_store %arg11[%swap3A_353, %swap3A_354, %swap3A_355], %mul3A_352 {strides = array<i32>} : memref<8x128x32xf32, #tpu.memory_space<vmem>>, vector<16xf32>,
        %slice3A_357 = vector.extract_strided_slice %get3A_312 {offsets = [2], sizes = [1], strides = [1]} : vector<16xf32> to vector<1xf32>
        %squeeze3A_358 = vector.extract %slice3A_357[0] : f32 from vector<1xf32>
        %mul3A_359 = arith.constant 16 : i32
        %mul3A_360 = arith.muli %add3A_307, %mul3A_359 : i32
        %add3A_361 = arith.constant 2 : i32
        %add3A_362 = arith.addi %mul3A_360, %add3A_361 : i32
        %get3A_363 = arith.index_cast %rem3A_252 : i32 to index
        %get3A_364 = arith.index_cast %add3A_362 : i32 to index
        %get3A_365 = arith.constant 0 : index
        %get3A_366 = tpu.vector_load %arg10[%get3A_363, %get3A_364, %get3A_365] {strides = array<i32>} : memref<8x128x32xbf16, #tpu.memory_space<vmem>>, vector<32xbf16>,
        %unpack3A_367 = tpu.unpack_subelements %get3A_366, 0 {pack_format = #tpu.pack_format<interleaved>} : vector<32xbf16> -> vector<16xf32>
        %unpack3A_368 = tpu.unpack_subelements %get3A_366, 1 {pack_format = #tpu.pack_format<interleaved>} : vector<32xbf16> -> vector<16xf32>
        %mul3A_369 = vector.broadcast %squeeze3A_358 : f32 to vector<16xf32>
        %mul3A_370 = arith.mulf %unpack3A_367, %mul3A_369 : vector<16xf32>
        %swap3A_371 = arith.index_cast %rem3A_252 : i32 to index
        %swap3A_372 = arith.index_cast %add3A_362 : i32 to index
        %swap3A_373 = arith.constant 0 : index
        %swap3A_374 = tpu.vector_load %arg11[%swap3A_371, %swap3A_372, %swap3A_373] {strides = array<i32>} : memref<8x128x32xf32, #tpu.memory_space<vmem>>, vector<16xf32>,
        tpu.vector_store %arg11[%swap3A_371, %swap3A_372, %swap3A_373], %mul3A_370 {strides = array<i32>} : memref<8x128x32xf32, #tpu.memory_space<vmem>>, vector<16xf32>,
        %mul3A_375 = vector.broadcast %squeeze3A_358 : f32 to vector<16xf32>
        %mul3A_376 = arith.mulf %unpack3A_368, %mul3A_375 : vector<16xf32>
        %swap3A_377 = arith.index_cast %rem3A_252 : i32 to index
        %swap3A_378 = arith.index_cast %add3A_362 : i32 to index
        %swap3A_379 = arith.constant 16 : index
        %swap3A_380 = tpu.vector_load %arg11[%swap3A_377, %swap3A_378, %swap3A_379] {strides = array<i32>} : memref<8x128x32xf32, #tpu.memory_space<vmem>>, vector<16xf32>,
        tpu.vector_store %arg11[%swap3A_377, %swap3A_378, %swap3A_379], %mul3A_376 {strides = array<i32>} : memref<8x128x32xf32, #tpu.memory_space<vmem>>, vector<16xf32>,
        %slice3A_381 = vector.extract_strided_slice %get3A_312 {offsets = [3], sizes = [1], strides = [1]} : vector<16xf32> to vector<1xf32>
        %squeeze3A_382 = vector.extract %slice3A_381[0] : f32 from vector<1xf32>
        %mul3A_383 = arith.constant 16 : i32
        %mul3A_384 = arith.muli %add3A_307, %mul3A_383 : i32
        %add3A_385 = arith.constant 3 : i32
        %add3A_386 = arith.addi %mul3A_384, %add3A_385 : i32
        %get3A_387 = arith.index_cast %rem3A_252 : i32 to index
        %get3A_388 = arith.index_cast %add3A_386 : i32 to index
        %get3A_389 = arith.constant 0 : index
        %get3A_390 = tpu.vector_load %arg10[%get3A_387, %get3A_388, %get3A_389] {strides = array<i32>} : memref<8x128x32xbf16, #tpu.memory_space<vmem>>, vector<32xbf16>,
        %unpack3A_391 = tpu.unpack_subelements %get3A_390, 0 {pack_format = #tpu.pack_format<interleaved>} : vector<32xbf16> -> vector<16xf32>
        %unpack3A_392 = tpu.unpack_subelements %get3A_390, 1 {pack_format = #tpu.pack_format<interleaved>} : vector<32xbf16> -> vector<16xf32>
        %mul3A_393 = vector.broadcast %squeeze3A_382 : f32 to vector<16xf32>
        %mul3A_394 = arith.mulf %unpack3A_391, %mul3A_393 : vector<16xf32>
        %swap3A_395 = arith.index_cast %rem3A_252 : i32 to index
        %swap3A_396 = arith.index_cast %add3A_386 : i32 to index
        %swap3A_397 = arith.constant 0 : index
        %swap3A_398 = tpu.vector_load %arg11[%swap3A_395, %swap3A_396, %swap3A_397] {strides = array<i32>} : memref<8x128x32xf32, #tpu.memory_space<vmem>>, vector<16xf32>,
        tpu.vector_store %arg11[%swap3A_395, %swap3A_396, %swap3A_397], %mul3A_394 {strides = array<i32>} : memref<8x128x32xf32, #tpu.memory_space<vmem>>, vector<16xf32>,
        %mul3A_399 = vector.broadcast %squeeze3A_382 : f32 to vector<16xf32>
        %mul3A_400 = arith.mulf %unpack3A_392, %mul3A_399 : vector<16xf32>
        %swap3A_401 = arith.index_cast %rem3A_252 : i32 to index
        %swap3A_402 = arith.index_cast %add3A_386 : i32 to index
        %swap3A_403 = arith.constant 16 : index
        %swap3A_404 = tpu.vector_load %arg11[%swap3A_401, %swap3A_402, %swap3A_403] {strides = array<i32>} : memref<8x128x32xf32, #tpu.memory_space<vmem>>, vector<16xf32>,
        tpu.vector_store %arg11[%swap3A_401, %swap3A_402, %swap3A_403], %mul3A_400 {strides = array<i32>} : memref<8x128x32xf32, #tpu.memory_space<vmem>>, vector<16xf32>,
        %slice3A_405 = vector.extract_strided_slice %get3A_312 {offsets = [4], sizes = [1], strides = [1]} : vector<16xf32> to vector<1xf32>
        %squeeze3A_406 = vector.extract %slice3A_405[0] : f32 from vector<1xf32>
        %mul3A_407 = arith.constant 16 : i32
        %mul3A_408 = arith.muli %add3A_307, %mul3A_407 : i32
        %add3A_409 = arith.constant 4 : i32
        %add3A_410 = arith.addi %mul3A_408, %add3A_409 : i32
        %get3A_411 = arith.index_cast %rem3A_252 : i32 to index
        %get3A_412 = arith.index_cast %add3A_410 : i32 to index
        %get3A_413 = arith.constant 0 : index
        %get3A_414 = tpu.vector_load %arg10[%get3A_411, %get3A_412, %get3A_413] {strides = array<i32>} : memref<8x128x32xbf16, #tpu.memory_space<vmem>>, vector<32xbf16>,
        %unpack3A_415 = tpu.unpack_subelements %get3A_414, 0 {pack_format = #tpu.pack_format<interleaved>} : vector<32xbf16> -> vector<16xf32>
        %unpack3A_416 = tpu.unpack_subelements %get3A_414, 1 {pack_format = #tpu.pack_format<interleaved>} : vector<32xbf16> -> vector<16xf32>
        %mul3A_417 = vector.broadcast %squeeze3A_406 : f32 to vector<16xf32>
        %mul3A_418 = arith.mulf %unpack3A_415, %mul3A_417 : vector<16xf32>
        %swap3A_419 = arith.index_cast %rem3A_252 : i32 to index
        %swap3A_420 = arith.index_cast %add3A_410 : i32 to index
        %swap3A_421 = arith.constant 0 : index
        %swap3A_422 = tpu.vector_load %arg11[%swap3A_419, %swap3A_420, %swap3A_421] {strides = array<i32>} : memref<8x128x32xf32, #tpu.memory_space<vmem>>, vector<16xf32>,
        tpu.vector_store %arg11[%swap3A_419, %swap3A_420, %swap3A_421], %mul3A_418 {strides = array<i32>} : memref<8x128x32xf32, #tpu.memory_space<vmem>>, vector<16xf32>,
        %mul3A_423 = vector.broadcast %squeeze3A_406 : f32 to vector<16xf32>
        %mul3A_424 = arith.mulf %unpack3A_416, %mul3A_423 : vector<16xf32>
        %swap3A_425 = arith.index_cast %rem3A_252 : i32 to index
        %swap3A_426 = arith.index_cast %add3A_410 : i32 to index
        %swap3A_427 = arith.constant 16 : index
        %swap3A_428 = tpu.vector_load %arg11[%swap3A_425, %swap3A_426, %swap3A_427] {strides = array<i32>} : memref<8x128x32xf32, #tpu.memory_space<vmem>>, vector<16xf32>,
        tpu.vector_store %arg11[%swap3A_425, %swap3A_426, %swap3A_427], %mul3A_424 {strides = array<i32>} : memref<8x128x32xf32, #tpu.memory_space<vmem>>, vector<16xf32>,
        %slice3A_429 = vector.extract_strided_slice %get3A_312 {offsets = [5], sizes = [1], strides = [1]} : vector<16xf32> to vector<1xf32>
        %squeeze3A_430 = vector.extract %slice3A_429[0] : f32 from vector<1xf32>
        %mul3A_431 = arith.constant 16 : i32
        %mul3A_432 = arith.muli %add3A_307, %mul3A_431 : i32
        %add3A_433 = arith.constant 5 : i32
        %add3A_434 = arith.addi %mul3A_432, %add3A_433 : i32
        %get3A_435 = arith.index_cast %rem3A_252 : i32 to index
        %get3A_436 = arith.index_cast %add3A_434 : i32 to index
        %get3A_437 = arith.constant 0 : index
        %get3A_438 = tpu.vector_load %arg10[%get3A_435, %get3A_436, %get3A_437] {strides = array<i32>} : memref<8x128x32xbf16, #tpu.memory_space<vmem>>, vector<32xbf16>,
        %unpack3A_439 = tpu.unpack_subelements %get3A_438, 0 {pack_format = #tpu.pack_format<interleaved>} : vector<32xbf16> -> vector<16xf32>
        %unpack3A_440 = tpu.unpack_subelements %get3A_438, 1 {pack_format = #tpu.pack_format<interleaved>} : vector<32xbf16> -> vector<16xf32>
        %mul3A_441 = vector.broadcast %squeeze3A_430 : f32 to vector<16xf32>
        %mul3A_442 = arith.mulf %unpack3A_439, %mul3A_441 : vector<16xf32>
        %swap3A_443 = arith.index_cast %rem3A_252 : i32 to index
        %swap3A_444 = arith.index_cast %add3A_434 : i32 to index
        %swap3A_445 = arith.constant 0 : index
        %swap3A_446 = tpu.vector_load %arg11[%swap3A_443, %swap3A_444, %swap3A_445] {strides = array<i32>} : memref<8x128x32xf32, #tpu.memory_space<vmem>>, vector<16xf32>,
        tpu.vector_store %arg11[%swap3A_443, %swap3A_444, %swap3A_445], %mul3A_442 {strides = array<i32>} : memref<8x128x32xf32, #tpu.memory_space<vmem>>, vector<16xf32>,
        %mul3A_447 = vector.broadcast %squeeze3A_430 : f32 to vector<16xf32>
        %mul3A_448 = arith.mulf %unpack3A_440, %mul3A_447 : vector<16xf32>
        %swap3A_449 = arith.index_cast %rem3A_252 : i32 to index
        %swap3A_450 = arith.index_cast %add3A_434 : i32 to index
        %swap3A_451 = arith.constant 16 : index
        %swap3A_452 = tpu.vector_load %arg11[%swap3A_449, %swap3A_450, %swap3A_451] {strides = array<i32>} : memref<8x128x32xf32, #tpu.memory_space<vmem>>, vector<16xf32>,
        tpu.vector_store %arg11[%swap3A_449, %swap3A_450, %swap3A_451], %mul3A_448 {strides = array<i32>} : memref<8x128x32xf32, #tpu.memory_space<vmem>>, vector<16xf32>,
        %slice3A_453 = vector.extract_strided_slice %get3A_312 {offsets = [6], sizes = [1], strides = [1]} : vector<16xf32> to vector<1xf32>
        %squeeze3A_454 = vector.extract %slice3A_453[0] : f32 from vector<1xf32>
        %mul3A_455 = arith.constant 16 : i32
        %mul3A_456 = arith.muli %add3A_307, %mul3A_455 : i32
        %add3A_457 = arith.constant 6 : i32
        %add3A_458 = arith.addi %mul3A_456, %add3A_457 : i32
        %get3A_459 = arith.index_cast %rem3A_252 : i32 to index
        %get3A_460 = arith.index_cast %add3A_458 : i32 to index
        %get3A_461 = arith.constant 0 : index
        %get3A_462 = tpu.vector_load %arg10[%get3A_459, %get3A_460, %get3A_461] {strides = array<i32>} : memref<8x128x32xbf16, #tpu.memory_space<vmem>>, vector<32xbf16>,
        %unpack3A_463 = tpu.unpack_subelements %get3A_462, 0 {pack_format = #tpu.pack_format<interleaved>} : vector<32xbf16> -> vector<16xf32>
        %unpack3A_464 = tpu.unpack_subelements %get3A_462, 1 {pack_format = #tpu.pack_format<interleaved>} : vector<32xbf16> -> vector<16xf32>
        %mul3A_465 = vector.broadcast %squeeze3A_454 : f32 to vector<16xf32>
        %mul3A_466 = arith.mulf %unpack3A_463, %mul3A_465 : vector<16xf32>
        %swap3A_467 = arith.index_cast %rem3A_252 : i32 to index
        %swap3A_468 = arith.index_cast %add3A_458 : i32 to index
        %swap3A_469 = arith.constant 0 : index
        %swap3A_470 = tpu.vector_load %arg11[%swap3A_467, %swap3A_468, %swap3A_469] {strides = array<i32>} : memref<8x128x32xf32, #tpu.memory_space<vmem>>, vector<16xf32>,
        tpu.vector_store %arg11[%swap3A_467, %swap3A_468, %swap3A_469], %mul3A_466 {strides = array<i32>} : memref<8x128x32xf32, #tpu.memory_space<vmem>>, vector<16xf32>,
        %mul3A_471 = vector.broadcast %squeeze3A_454 : f32 to vector<16xf32>
        %mul3A_472 = arith.mulf %unpack3A_464, %mul3A_471 : vector<16xf32>
        %swap3A_473 = arith.index_cast %rem3A_252 : i32 to index
        %swap3A_474 = arith.index_cast %add3A_458 : i32 to index
        %swap3A_475 = arith.constant 16 : index
        %swap3A_476 = tpu.vector_load %arg11[%swap3A_473, %swap3A_474, %swap3A_475] {strides = array<i32>} : memref<8x128x32xf32, #tpu.memory_space<vmem>>, vector<16xf32>,
        tpu.vector_store %arg11[%swap3A_473, %swap3A_474, %swap3A_475], %mul3A_472 {strides = array<i32>} : memref<8x128x32xf32, #tpu.memory_space<vmem>>, vector<16xf32>,
        %slice3A_477 = vector.extract_strided_slice %get3A_312 {offsets = [7], sizes = [1], strides = [1]} : vector<16xf32> to vector<1xf32>
        %squeeze3A_478 = vector.extract %slice3A_477[0] : f32 from vector<1xf32>
        %mul3A_479 = arith.constant 16 : i32
        %mul3A_480 = arith.muli %add3A_307, %mul3A_479 : i32
        %add3A_481 = arith.constant 7 : i32
        %add3A_482 = arith.addi %mul3A_480, %add3A_481 : i32
        %get3A_483 = arith.index_cast %rem3A_252 : i32 to index
        %get3A_484 = arith.index_cast %add3A_482 : i32 to index
        %get3A_485 = arith.constant 0 : index
        %get3A_486 = tpu.vector_load %arg10[%get3A_483, %get3A_484, %get3A_485] {strides = array<i32>} : memref<8x128x32xbf16, #tpu.memory_space<vmem>>, vector<32xbf16>,
        %unpack3A_487 = tpu.unpack_subelements %get3A_486, 0 {pack_format = #tpu.pack_format<interleaved>} : vector<32xbf16> -> vector<16xf32>
        %unpack3A_488 = tpu.unpack_subelements %get3A_486, 1 {pack_format = #tpu.pack_format<interleaved>} : vector<32xbf16> -> vector<16xf32>
        %mul3A_489 = vector.broadcast %squeeze3A_478 : f32 to vector<16xf32>
        %mul3A_490 = arith.mulf %unpack3A_487, %mul3A_489 : vector<16xf32>
        %swap3A_491 = arith.index_cast %rem3A_252 : i32 to index
        %swap3A_492 = arith.index_cast %add3A_482 : i32 to index
        %swap3A_493 = arith.constant 0 : index
        %swap3A_494 = tpu.vector_load %arg11[%swap3A_491, %swap3A_492, %swap3A_493] {strides = array<i32>} : memref<8x128x32xf32, #tpu.memory_space<vmem>>, vector<16xf32>,
        tpu.vector_store %arg11[%swap3A_491, %swap3A_492, %swap3A_493], %mul3A_490 {strides = array<i32>} : memref<8x128x32xf32, #tpu.memory_space<vmem>>, vector<16xf32>,
        %mul3A_495 = vector.broadcast %squeeze3A_478 : f32 to vector<16xf32>
        %mul3A_496 = arith.mulf %unpack3A_488, %mul3A_495 : vector<16xf32>
        %swap3A_497 = arith.index_cast %rem3A_252 : i32 to index
        %swap3A_498 = arith.index_cast %add3A_482 : i32 to index
        %swap3A_499 = arith.constant 16 : index
        %swap3A_500 = tpu.vector_load %arg11[%swap3A_497, %swap3A_498, %swap3A_499] {strides = array<i32>} : memref<8x128x32xf32, #tpu.memory_space<vmem>>, vector<16xf32>,
        tpu.vector_store %arg11[%swap3A_497, %swap3A_498, %swap3A_499], %mul3A_496 {strides = array<i32>} : memref<8x128x32xf32, #tpu.memory_space<vmem>>, vector<16xf32>,
        %slice3A_501 = vector.extract_strided_slice %get3A_312 {offsets = [8], sizes = [1], strides = [1]} : vector<16xf32> to vector<1xf32>
        %squeeze3A_502 = vector.extract %slice3A_501[0] : f32 from vector<1xf32>
        %mul3A_503 = arith.constant 16 : i32
        %mul3A_504 = arith.muli %add3A_307, %mul3A_503 : i32
        %add3A_505 = arith.constant 8 : i32
        %add3A_506 = arith.addi %mul3A_504, %add3A_505 : i32
        %get3A_507 = arith.index_cast %rem3A_252 : i32 to index
        %get3A_508 = arith.index_cast %add3A_506 : i32 to index
        %get3A_509 = arith.constant 0 : index
        %get3A_510 = tpu.vector_load %arg10[%get3A_507, %get3A_508, %get3A_509] {strides = array<i32>} : memref<8x128x32xbf16, #tpu.memory_space<vmem>>, vector<32xbf16>,
        %unpack3A_511 = tpu.unpack_subelements %get3A_510, 0 {pack_format = #tpu.pack_format<interleaved>} : vector<32xbf16> -> vector<16xf32>
        %unpack3A_512 = tpu.unpack_subelements %get3A_510, 1 {pack_format = #tpu.pack_format<interleaved>} : vector<32xbf16> -> vector<16xf32>
        %mul3A_513 = vector.broadcast %squeeze3A_502 : f32 to vector<16xf32>
        %mul3A_514 = arith.mulf %unpack3A_511, %mul3A_513 : vector<16xf32>
        %swap3A_515 = arith.index_cast %rem3A_252 : i32 to index
        %swap3A_516 = arith.index_cast %add3A_506 : i32 to index
        %swap3A_517 = arith.constant 0 : index
        %swap3A_518 = tpu.vector_load %arg11[%swap3A_515, %swap3A_516, %swap3A_517] {strides = array<i32>} : memref<8x128x32xf32, #tpu.memory_space<vmem>>, vector<16xf32>,
        tpu.vector_store %arg11[%swap3A_515, %swap3A_516, %swap3A_517], %mul3A_514 {strides = array<i32>} : memref<8x128x32xf32, #tpu.memory_space<vmem>>, vector<16xf32>,
        %mul3A_519 = vector.broadcast %squeeze3A_502 : f32 to vector<16xf32>
        %mul3A_520 = arith.mulf %unpack3A_512, %mul3A_519 : vector<16xf32>
        %swap3A_521 = arith.index_cast %rem3A_252 : i32 to index
        %swap3A_522 = arith.index_cast %add3A_506 : i32 to index
        %swap3A_523 = arith.constant 16 : index
        %swap3A_524 = tpu.vector_load %arg11[%swap3A_521, %swap3A_522, %swap3A_523] {strides = array<i32>} : memref<8x128x32xf32, #tpu.memory_space<vmem>>, vector<16xf32>,
        tpu.vector_store %arg11[%swap3A_521, %swap3A_522, %swap3A_523], %mul3A_520 {strides = array<i32>} : memref<8x128x32xf32, #tpu.memory_space<vmem>>, vector<16xf32>,
        %slice3A_525 = vector.extract_strided_slice %get3A_312 {offsets = [9], sizes = [1], strides = [1]} : vector<16xf32> to vector<1xf32>
        %squeeze3A_526 = vector.extract %slice3A_525[0] : f32 from vector<1xf32>
        %mul3A_527 = arith.constant 16 : i32
        %mul3A_528 = arith.muli %add3A_307, %mul3A_527 : i32
        %add3A_529 = arith.constant 9 : i32
        %add3A_530 = arith.addi %mul3A_528, %add3A_529 : i32
        %get3A_531 = arith.index_cast %rem3A_252 : i32 to index
        %get3A_532 = arith.index_cast %add3A_530 : i32 to index
        %get3A_533 = arith.constant 0 : index
        %get3A_534 = tpu.vector_load %arg10[%get3A_531, %get3A_532, %get3A_533] {strides = array<i32>} : memref<8x128x32xbf16, #tpu.memory_space<vmem>>, vector<32xbf16>,
        %unpack3A_535 = tpu.unpack_subelements %get3A_534, 0 {pack_format = #tpu.pack_format<interleaved>} : vector<32xbf16> -> vector<16xf32>
        %unpack3A_536 = tpu.unpack_subelements %get3A_534, 1 {pack_format = #tpu.pack_format<interleaved>} : vector<32xbf16> -> vector<16xf32>
        %mul3A_537 = vector.broadcast %squeeze3A_526 : f32 to vector<16xf32>
        %mul3A_538 = arith.mulf %unpack3A_535, %mul3A_537 : vector<16xf32>
        %swap3A_539 = arith.index_cast %rem3A_252 : i32 to index
        %swap3A_540 = arith.index_cast %add3A_530 : i32 to index
        %swap3A_541 = arith.constant 0 : index
        %swap3A_542 = tpu.vector_load %arg11[%swap3A_539, %swap3A_540, %swap3A_541] {strides = array<i32>} : memref<8x128x32xf32, #tpu.memory_space<vmem>>, vector<16xf32>,
        tpu.vector_store %arg11[%swap3A_539, %swap3A_540, %swap3A_541], %mul3A_538 {strides = array<i32>} : memref<8x128x32xf32, #tpu.memory_space<vmem>>, vector<16xf32>,
        %mul3A_543 = vector.broadcast %squeeze3A_526 : f32 to vector<16xf32>
        %mul3A_544 = arith.mulf %unpack3A_536, %mul3A_543 : vector<16xf32>
        %swap3A_545 = arith.index_cast %rem3A_252 : i32 to index
        %swap3A_546 = arith.index_cast %add3A_530 : i32 to index
        %swap3A_547 = arith.constant 16 : index
        %swap3A_548 = tpu.vector_load %arg11[%swap3A_545, %swap3A_546, %swap3A_547] {strides = array<i32>} : memref<8x128x32xf32, #tpu.memory_space<vmem>>, vector<16xf32>,
        tpu.vector_store %arg11[%swap3A_545, %swap3A_546, %swap3A_547], %mul3A_544 {strides = array<i32>} : memref<8x128x32xf32, #tpu.memory_space<vmem>>, vector<16xf32>,
        %slice3A_549 = vector.extract_strided_slice %get3A_312 {offsets = [10], sizes = [1], strides = [1]} : vector<16xf32> to vector<1xf32>
        %squeeze3A_550 = vector.extract %slice3A_549[0] : f32 from vector<1xf32>
        %mul3A_551 = arith.constant 16 : i32
        %mul3A_552 = arith.muli %add3A_307, %mul3A_551 : i32
        %add3A_553 = arith.constant 10 : i32
        %add3A_554 = arith.addi %mul3A_552, %add3A_553 : i32
        %get3A_555 = arith.index_cast %rem3A_252 : i32 to index
        %get3A_556 = arith.index_cast %add3A_554 : i32 to index
        %get3A_557 = arith.constant 0 : index
        %get3A_558 = tpu.vector_load %arg10[%get3A_555, %get3A_556, %get3A_557] {strides = array<i32>} : memref<8x128x32xbf16, #tpu.memory_space<vmem>>, vector<32xbf16>,
        %unpack3A_559 = tpu.unpack_subelements %get3A_558, 0 {pack_format = #tpu.pack_format<interleaved>} : vector<32xbf16> -> vector<16xf32>
        %unpack3A_560 = tpu.unpack_subelements %get3A_558, 1 {pack_format = #tpu.pack_format<interleaved>} : vector<32xbf16> -> vector<16xf32>
        %mul3A_561 = vector.broadcast %squeeze3A_550 : f32 to vector<16xf32>
        %mul3A_562 = arith.mulf %unpack3A_559, %mul3A_561 : vector<16xf32>
        %swap3A_563 = arith.index_cast %rem3A_252 : i32 to index
        %swap3A_564 = arith.index_cast %add3A_554 : i32 to index
        %swap3A_565 = arith.constant 0 : index
        %swap3A_566 = tpu.vector_load %arg11[%swap3A_563, %swap3A_564, %swap3A_565] {strides = array<i32>} : memref<8x128x32xf32, #tpu.memory_space<vmem>>, vector<16xf32>,
        tpu.vector_store %arg11[%swap3A_563, %swap3A_564, %swap3A_565], %mul3A_562 {strides = array<i32>} : memref<8x128x32xf32, #tpu.memory_space<vmem>>, vector<16xf32>,
        %mul3A_567 = vector.broadcast %squeeze3A_550 : f32 to vector<16xf32>
        %mul3A_568 = arith.mulf %unpack3A_560, %mul3A_567 : vector<16xf32>
        %swap3A_569 = arith.index_cast %rem3A_252 : i32 to index
        %swap3A_570 = arith.index_cast %add3A_554 : i32 to index
        %swap3A_571 = arith.constant 16 : index
        %swap3A_572 = tpu.vector_load %arg11[%swap3A_569, %swap3A_570, %swap3A_571] {strides = array<i32>} : memref<8x128x32xf32, #tpu.memory_space<vmem>>, vector<16xf32>,
        tpu.vector_store %arg11[%swap3A_569, %swap3A_570, %swap3A_571], %mul3A_568 {strides = array<i32>} : memref<8x128x32xf32, #tpu.memory_space<vmem>>, vector<16xf32>,
        %slice3A_573 = vector.extract_strided_slice %get3A_312 {offsets = [11], sizes = [1], strides = [1]} : vector<16xf32> to vector<1xf32>
        %squeeze3A_574 = vector.extract %slice3A_573[0] : f32 from vector<1xf32>
        %mul3A_575 = arith.constant 16 : i32
        %mul3A_576 = arith.muli %add3A_307, %mul3A_575 : i32
        %add3A_577 = arith.constant 11 : i32
        %add3A_578 = arith.addi %mul3A_576, %add3A_577 : i32
        %get3A_579 = arith.index_cast %rem3A_252 : i32 to index
        %get3A_580 = arith.index_cast %add3A_578 : i32 to index
        %get3A_581 = arith.constant 0 : index
        %get3A_582 = tpu.vector_load %arg10[%get3A_579, %get3A_580, %get3A_581] {strides = array<i32>} : memref<8x128x32xbf16, #tpu.memory_space<vmem>>, vector<32xbf16>,
        %unpack3A_583 = tpu.unpack_subelements %get3A_582, 0 {pack_format = #tpu.pack_format<interleaved>} : vector<32xbf16> -> vector<16xf32>
        %unpack3A_584 = tpu.unpack_subelements %get3A_582, 1 {pack_format = #tpu.pack_format<interleaved>} : vector<32xbf16> -> vector<16xf32>
        %mul3A_585 = vector.broadcast %squeeze3A_574 : f32 to vector<16xf32>
        %mul3A_586 = arith.mulf %unpack3A_583, %mul3A_585 : vector<16xf32>
        %swap3A_587 = arith.index_cast %rem3A_252 : i32 to index
        %swap3A_588 = arith.index_cast %add3A_578 : i32 to index
        %swap3A_589 = arith.constant 0 : index
        %swap3A_590 = tpu.vector_load %arg11[%swap3A_587, %swap3A_588, %swap3A_589] {strides = array<i32>} : memref<8x128x32xf32, #tpu.memory_space<vmem>>, vector<16xf32>,
        tpu.vector_store %arg11[%swap3A_587, %swap3A_588, %swap3A_589], %mul3A_586 {strides = array<i32>} : memref<8x128x32xf32, #tpu.memory_space<vmem>>, vector<16xf32>,
        %mul3A_591 = vector.broadcast %squeeze3A_574 : f32 to vector<16xf32>
        %mul3A_592 = arith.mulf %unpack3A_584, %mul3A_591 : vector<16xf32>
        %swap3A_593 = arith.index_cast %rem3A_252 : i32 to index
        %swap3A_594 = arith.index_cast %add3A_578 : i32 to index
        %swap3A_595 = arith.constant 16 : index
        %swap3A_596 = tpu.vector_load %arg11[%swap3A_593, %swap3A_594, %swap3A_595] {strides = array<i32>} : memref<8x128x32xf32, #tpu.memory_space<vmem>>, vector<16xf32>,
        tpu.vector_store %arg11[%swap3A_593, %swap3A_594, %swap3A_595], %mul3A_592 {strides = array<i32>} : memref<8x128x32xf32, #tpu.memory_space<vmem>>, vector<16xf32>,
        %slice3A_597 = vector.extract_strided_slice %get3A_312 {offsets = [12], sizes = [1], strides = [1]} : vector<16xf32> to vector<1xf32>
        %squeeze3A_598 = vector.extract %slice3A_597[0] : f32 from vector<1xf32>
        %mul3A_599 = arith.constant 16 : i32
        %mul3A_600 = arith.muli %add3A_307, %mul3A_599 : i32
        %add3A_601 = arith.constant 12 : i32
        %add3A_602 = arith.addi %mul3A_600, %add3A_601 : i32
        %get3A_603 = arith.index_cast %rem3A_252 : i32 to index
        %get3A_604 = arith.index_cast %add3A_602 : i32 to index
        %get3A_605 = arith.constant 0 : index
        %get3A_606 = tpu.vector_load %arg10[%get3A_603, %get3A_604, %get3A_605] {strides = array<i32>} : memref<8x128x32xbf16, #tpu.memory_space<vmem>>, vector<32xbf16>,
        %unpack3A_607 = tpu.unpack_subelements %get3A_606, 0 {pack_format = #tpu.pack_format<interleaved>} : vector<32xbf16> -> vector<16xf32>
        %unpack3A_608 = tpu.unpack_subelements %get3A_606, 1 {pack_format = #tpu.pack_format<interleaved>} : vector<32xbf16> -> vector<16xf32>
        %mul3A_609 = vector.broadcast %squeeze3A_598 : f32 to vector<16xf32>
        %mul3A_610 = arith.mulf %unpack3A_607, %mul3A_609 : vector<16xf32>
        %swap3A_611 = arith.index_cast %rem3A_252 : i32 to index
        %swap3A_612 = arith.index_cast %add3A_602 : i32 to index
        %swap3A_613 = arith.constant 0 : index
        %swap3A_614 = tpu.vector_load %arg11[%swap3A_611, %swap3A_612, %swap3A_613] {strides = array<i32>} : memref<8x128x32xf32, #tpu.memory_space<vmem>>, vector<16xf32>,
        tpu.vector_store %arg11[%swap3A_611, %swap3A_612, %swap3A_613], %mul3A_610 {strides = array<i32>} : memref<8x128x32xf32, #tpu.memory_space<vmem>>, vector<16xf32>,
        %mul3A_615 = vector.broadcast %squeeze3A_598 : f32 to vector<16xf32>
        %mul3A_616 = arith.mulf %unpack3A_608, %mul3A_615 : vector<16xf32>
        %swap3A_617 = arith.index_cast %rem3A_252 : i32 to index
        %swap3A_618 = arith.index_cast %add3A_602 : i32 to index
        %swap3A_619 = arith.constant 16 : index
        %swap3A_620 = tpu.vector_load %arg11[%swap3A_617, %swap3A_618, %swap3A_619] {strides = array<i32>} : memref<8x128x32xf32, #tpu.memory_space<vmem>>, vector<16xf32>,
        tpu.vector_store %arg11[%swap3A_617, %swap3A_618, %swap3A_619], %mul3A_616 {strides = array<i32>} : memref<8x128x32xf32, #tpu.memory_space<vmem>>, vector<16xf32>,
        %slice3A_621 = vector.extract_strided_slice %get3A_312 {offsets = [13], sizes = [1], strides = [1]} : vector<16xf32> to vector<1xf32>
        %squeeze3A_622 = vector.extract %slice3A_621[0] : f32 from vector<1xf32>
        %mul3A_623 = arith.constant 16 : i32
        %mul3A_624 = arith.muli %add3A_307, %mul3A_623 : i32
        %add3A_625 = arith.constant 13 : i32
        %add3A_626 = arith.addi %mul3A_624, %add3A_625 : i32
        %get3A_627 = arith.index_cast %rem3A_252 : i32 to index
        %get3A_628 = arith.index_cast %add3A_626 : i32 to index
        %get3A_629 = arith.constant 0 : index
        %get3A_630 = tpu.vector_load %arg10[%get3A_627, %get3A_628, %get3A_629] {strides = array<i32>} : memref<8x128x32xbf16, #tpu.memory_space<vmem>>, vector<32xbf16>,
        %unpack3A_631 = tpu.unpack_subelements %get3A_630, 0 {pack_format = #tpu.pack_format<interleaved>} : vector<32xbf16> -> vector<16xf32>
        %unpack3A_632 = tpu.unpack_subelements %get3A_630, 1 {pack_format = #tpu.pack_format<interleaved>} : vector<32xbf16> -> vector<16xf32>
        %mul3A_633 = vector.broadcast %squeeze3A_622 : f32 to vector<16xf32>
        %mul3A_634 = arith.mulf %unpack3A_631, %mul3A_633 : vector<16xf32>
        %swap3A_635 = arith.index_cast %rem3A_252 : i32 to index
        %swap3A_636 = arith.index_cast %add3A_626 : i32 to index
        %swap3A_637 = arith.constant 0 : index
        %swap3A_638 = tpu.vector_load %arg11[%swap3A_635, %swap3A_636, %swap3A_637] {strides = array<i32>} : memref<8x128x32xf32, #tpu.memory_space<vmem>>, vector<16xf32>,
        tpu.vector_store %arg11[%swap3A_635, %swap3A_636, %swap3A_637], %mul3A_634 {strides = array<i32>} : memref<8x128x32xf32, #tpu.memory_space<vmem>>, vector<16xf32>,
        %mul3A_639 = vector.broadcast %squeeze3A_622 : f32 to vector<16xf32>
        %mul3A_640 = arith.mulf %unpack3A_632, %mul3A_639 : vector<16xf32>
        %swap3A_641 = arith.index_cast %rem3A_252 : i32 to index
        %swap3A_642 = arith.index_cast %add3A_626 : i32 to index
        %swap3A_643 = arith.constant 16 : index
        %swap3A_644 = tpu.vector_load %arg11[%swap3A_641, %swap3A_642, %swap3A_643] {strides = array<i32>} : memref<8x128x32xf32, #tpu.memory_space<vmem>>, vector<16xf32>,
        tpu.vector_store %arg11[%swap3A_641, %swap3A_642, %swap3A_643], %mul3A_640 {strides = array<i32>} : memref<8x128x32xf32, #tpu.memory_space<vmem>>, vector<16xf32>,
        %slice3A_645 = vector.extract_strided_slice %get3A_312 {offsets = [14], sizes = [1], strides = [1]} : vector<16xf32> to vector<1xf32>
        %squeeze3A_646 = vector.extract %slice3A_645[0] : f32 from vector<1xf32>
        %mul3A_647 = arith.constant 16 : i32
        %mul3A_648 = arith.muli %add3A_307, %mul3A_647 : i32
        %add3A_649 = arith.constant 14 : i32
        %add3A_650 = arith.addi %mul3A_648, %add3A_649 : i32
        %get3A_651 = arith.index_cast %rem3A_252 : i32 to index
        %get3A_652 = arith.index_cast %add3A_650 : i32 to index
        %get3A_653 = arith.constant 0 : index
        %get3A_654 = tpu.vector_load %arg10[%get3A_651, %get3A_652, %get3A_653] {strides = array<i32>} : memref<8x128x32xbf16, #tpu.memory_space<vmem>>, vector<32xbf16>,
        %unpack3A_655 = tpu.unpack_subelements %get3A_654, 0 {pack_format = #tpu.pack_format<interleaved>} : vector<32xbf16> -> vector<16xf32>
        %unpack3A_656 = tpu.unpack_subelements %get3A_654, 1 {pack_format = #tpu.pack_format<interleaved>} : vector<32xbf16> -> vector<16xf32>
        %mul3A_657 = vector.broadcast %squeeze3A_646 : f32 to vector<16xf32>
        %mul3A_658 = arith.mulf %unpack3A_655, %mul3A_657 : vector<16xf32>
        %swap3A_659 = arith.index_cast %rem3A_252 : i32 to index
        %swap3A_660 = arith.index_cast %add3A_650 : i32 to index
        %swap3A_661 = arith.constant 0 : index
        %swap3A_662 = tpu.vector_load %arg11[%swap3A_659, %swap3A_660, %swap3A_661] {strides = array<i32>} : memref<8x128x32xf32, #tpu.memory_space<vmem>>, vector<16xf32>,
        tpu.vector_store %arg11[%swap3A_659, %swap3A_660, %swap3A_661], %mul3A_658 {strides = array<i32>} : memref<8x128x32xf32, #tpu.memory_space<vmem>>, vector<16xf32>,
        %mul3A_663 = vector.broadcast %squeeze3A_646 : f32 to vector<16xf32>
        %mul3A_664 = arith.mulf %unpack3A_656, %mul3A_663 : vector<16xf32>
        %swap3A_665 = arith.index_cast %rem3A_252 : i32 to index
        %swap3A_666 = arith.index_cast %add3A_650 : i32 to index
        %swap3A_667 = arith.constant 16 : index
        %swap3A_668 = tpu.vector_load %arg11[%swap3A_665, %swap3A_666, %swap3A_667] {strides = array<i32>} : memref<8x128x32xf32, #tpu.memory_space<vmem>>, vector<16xf32>,
        tpu.vector_store %arg11[%swap3A_665, %swap3A_666, %swap3A_667], %mul3A_664 {strides = array<i32>} : memref<8x128x32xf32, #tpu.memory_space<vmem>>, vector<16xf32>,
        %slice3A_669 = vector.extract_strided_slice %get3A_312 {offsets = [15], sizes = [1], strides = [1]} : vector<16xf32> to vector<1xf32>
        %squeeze3A_670 = vector.extract %slice3A_669[0] : f32 from vector<1xf32>
        %mul3A_671 = arith.constant 16 : i32
        %mul3A_672 = arith.muli %add3A_307, %mul3A_671 : i32
        %add3A_673 = arith.constant 15 : i32
        %add3A_674 = arith.addi %mul3A_672, %add3A_673 : i32
        %get3A_675 = arith.index_cast %rem3A_252 : i32 to index
        %get3A_676 = arith.index_cast %add3A_674 : i32 to index
        %get3A_677 = arith.constant 0 : index
        %get3A_678 = tpu.vector_load %arg10[%get3A_675, %get3A_676, %get3A_677] {strides = array<i32>} : memref<8x128x32xbf16, #tpu.memory_space<vmem>>, vector<32xbf16>,
        %unpack3A_679 = tpu.unpack_subelements %get3A_678, 0 {pack_format = #tpu.pack_format<interleaved>} : vector<32xbf16> -> vector<16xf32>
        %unpack3A_680 = tpu.unpack_subelements %get3A_678, 1 {pack_format = #tpu.pack_format<interleaved>} : vector<32xbf16> -> vector<16xf32>
        %mul3A_681 = vector.broadcast %squeeze3A_670 : f32 to vector<16xf32>
        %mul3A_682 = arith.mulf %unpack3A_679, %mul3A_681 : vector<16xf32>
        %swap3A_683 = arith.index_cast %rem3A_252 : i32 to index
        %swap3A_684 = arith.index_cast %add3A_674 : i32 to index
        %swap3A_685 = arith.constant 0 : index
        %swap3A_686 = tpu.vector_load %arg11[%swap3A_683, %swap3A_684, %swap3A_685] {strides = array<i32>} : memref<8x128x32xf32, #tpu.memory_space<vmem>>, vector<16xf32>,
        tpu.vector_store %arg11[%swap3A_683, %swap3A_684, %swap3A_685], %mul3A_682 {strides = array<i32>} : memref<8x128x32xf32, #tpu.memory_space<vmem>>, vector<16xf32>,
        %mul3A_687 = vector.broadcast %squeeze3A_670 : f32 to vector<16xf32>
        %mul3A_688 = arith.mulf %unpack3A_680, %mul3A_687 : vector<16xf32>
        %swap3A_689 = arith.index_cast %rem3A_252 : i32 to index
        %swap3A_690 = arith.index_cast %add3A_674 : i32 to index
        %swap3A_691 = arith.constant 16 : index
        %swap3A_692 = tpu.vector_load %arg11[%swap3A_689, %swap3A_690, %swap3A_691] {strides = array<i32>} : memref<8x128x32xf32, #tpu.memory_space<vmem>>, vector<16xf32>,
        tpu.vector_store %arg11[%swap3A_689, %swap3A_690, %swap3A_691], %mul3A_688 {strides = array<i32>} : memref<8x128x32xf32, #tpu.memory_space<vmem>>, vector<16xf32>,
      }
      %scan3A_281 = arith.constant 8 : i32
      %ge3A = arith.constant 4 : i32
      %ge3A_282 = arith.cmpi sge, %add3A_251, %ge3A : i32
      %convert_element_type3A_283 = arith.extui %ge3A_282 : i1 to i32
      %cond3A_284 = arith.constant 0 : i32
      %cond3A_285 = arith.cmpi ne, %convert_element_type3A_283, %cond3A_284 : i32
      scf.if %cond3A_285 {
        %add3A_303 = arith.constant 8 : i32
        %add3A_304 = arith.addi %add3A_251, %add3A_303 : i32
        %sub3A = arith.constant 4 : i32
        %sub3A_305 = arith.subi %add3A_304, %sub3A : i32
        %rem3A_306 = arith.constant 8 : i32
        %rem3A_307 = arith.remsi %sub3A_305, %rem3A_306 : i32
        %dma_wait3A_308 = arith.constant 0 : i32
        %dma_wait3A_309 = arith.constant 0 : i32
        %dma_wait3A_310 = tpu.memref_slice %arg11[%rem3A_307, %dma_wait3A_308, %dma_wait3A_309] : memref<8x128x32xf32, #tpu.memory_space<vmem>> -> memref<1x128x32xf32, #tpu.memory_space<vmem>>
        %dma_wait3A_311 = tpu.memref_squeeze %dma_wait3A_310 : memref<1x128x32xf32, #tpu.memory_space<vmem>> -> memref<128x32xf32, #tpu.memory_space<vmem>>
        %dma_wait3A_312 = arith.constant 0 : i32
        %dma_wait3A_313 = arith.constant 0 : i32
        %dma_wait3A_314 = tpu.memref_slice %arg6[%dma_wait3A_312, %dma_wait3A_313] : memref<32768x32xf32, #tpu.memory_space<hbm>> -> memref<128x32xf32, #tpu.memory_space<hbm>>
        %dma_wait3A_315 = arith.constant 0 : i32
        %dma_wait3A_316 = arith.constant 0 : i32
        %dma_wait3A_317 = tpu.memref_slice %arg11[%rem3A_307, %dma_wait3A_315, %dma_wait3A_316] : memref<8x128x32xf32, #tpu.memory_space<vmem>> -> memref<1x128x32xf32, #tpu.memory_space<vmem>>
        %dma_wait3A_318 = tpu.memref_squeeze %dma_wait3A_317 : memref<1x128x32xf32, #tpu.memory_space<vmem>> -> memref<128x32xf32, #tpu.memory_space<vmem>>
        %dma_wait3A_319 = arith.constant 0 : i32
        %dma_wait3A_320 = arith.constant 0 : i32
        %dma_wait3A_321 = tpu.memref_slice %arg6[%dma_wait3A_319, %dma_wait3A_320] : memref<32768x32xf32, #tpu.memory_space<hbm>> -> memref<128x32xf32, #tpu.memory_space<hbm>>
        tpu.wait_dma2 semaphore(%arg16 : memref<!tpu.dma_semaphore, #tpu.memory_space<semaphore_mem>>) src(%dma_wait3A_321 : memref<128x32xf32, #tpu.memory_space<hbm>>) dst(%dma_wait3A_318 : memref<128x32xf32, #tpu.memory_space<vmem>>)
      } else {
      }
      %add3A_286 = arith.constant 4 : i32
      %add3A_287 = arith.addi %add3A_251, %add3A_286 : i32
      %lt3A_288 = arith.constant 640 : i32
      %lt3A_289 = arith.cmpi slt, %add3A_287, %lt3A_288 : i32
      %convert_element_type3A_290 = arith.extui %lt3A_289 : i1 to i32
      %cond3A_291 = arith.constant 0 : i32
      %cond3A_292 = arith.cmpi ne, %convert_element_type3A_290, %cond3A_291 : i32
      scf.if %cond3A_292 {
        %add3A_303 = arith.constant 4 : i32
        %add3A_304 = arith.addi %add3A_251, %add3A_303 : i32
        %div3A_305 = arith.constant 16 : i32
        %div3A_306 = arith.divsi %add3A_304, %div3A_305 : i32
        %rem3A_307 = arith.constant 2 : i32
        %rem3A_308 = arith.remsi %div3A_306, %rem3A_307 : i32
        %rem3A_309 = arith.constant 16 : i32
        %rem3A_310 = arith.remsi %add3A_304, %rem3A_309 : i32
        %eq3A_311 = arith.constant 0 : i32
        %eq3A_312 = arith.cmpi eq, %rem3A_310, %eq3A_311 : i32
        %convert_element_type3A_313 = arith.extui %eq3A_312 : i1 to i32
        %cond3A_314 = arith.constant 0 : i32
        %cond3A_315 = arith.cmpi ne, %convert_element_type3A_313, %cond3A_314 : i32
        scf.if %cond3A_315 {
          %dma_wait3A_328 = arith.constant 0 : i32
          %dma_wait3A_329 = arith.constant 0 : i32
          %dma_wait3A_330 = tpu.memref_slice %arg7[%rem3A_308, %dma_wait3A_328, %dma_wait3A_329] : memref<2x16x128xi32, #tpu.memory_space<vmem>> -> memref<1x16x128xi32, #tpu.memory_space<vmem>>
          %dma_wait3A_331 = tpu.memref_squeeze %dma_wait3A_330 : memref<1x16x128xi32, #tpu.memory_space<vmem>> -> memref<16x128xi32, #tpu.memory_space<vmem>>
          %dma_wait3A_332 = arith.constant 0 : i32
          %dma_wait3A_333 = tpu.memref_slice %arg2[%mul3A_39, %dma_wait3A_332] : memref<20480x128xi32, #tpu.memory_space<hbm>> -> memref<16x128xi32, #tpu.memory_space<hbm>>
          %dma_wait3A_334 = arith.constant 0 : i32
          %dma_wait3A_335 = arith.constant 0 : i32
          %dma_wait3A_336 = tpu.memref_slice %arg7[%rem3A_308, %dma_wait3A_334, %dma_wait3A_335] : memref<2x16x128xi32, #tpu.memory_space<vmem>> -> memref<1x16x128xi32, #tpu.memory_space<vmem>>
          %dma_wait3A_337 = tpu.memref_squeeze %dma_wait3A_336 : memref<1x16x128xi32, #tpu.memory_space<vmem>> -> memref<16x128xi32, #tpu.memory_space<vmem>>
          %dma_wait3A_338 = arith.constant 0 : i32
          %dma_wait3A_339 = tpu.memref_slice %arg2[%mul3A_39, %dma_wait3A_338] : memref<20480x128xi32, #tpu.memory_space<hbm>> -> memref<16x128xi32, #tpu.memory_space<hbm>>
          tpu.wait_dma2 semaphore(%arg14 : memref<!tpu.dma_semaphore, #tpu.memory_space<semaphore_mem>>) src(%dma_wait3A_339 : memref<16x128xi32, #tpu.memory_space<hbm>>) dst(%dma_wait3A_337 : memref<16x128xi32, #tpu.memory_space<vmem>>)
          %dma_wait3A_340 = arith.constant 0 : i32
          %dma_wait3A_341 = arith.constant 0 : i32
          %dma_wait3A_342 = tpu.memref_slice %arg8[%rem3A_308, %dma_wait3A_340, %dma_wait3A_341] : memref<2x16x128xi32, #tpu.memory_space<vmem>> -> memref<1x16x128xi32, #tpu.memory_space<vmem>>
          %dma_wait3A_343 = tpu.memref_squeeze %dma_wait3A_342 : memref<1x16x128xi32, #tpu.memory_space<vmem>> -> memref<16x128xi32, #tpu.memory_space<vmem>>
          %dma_wait3A_344 = arith.constant 0 : i32
          %dma_wait3A_345 = tpu.memref_slice %arg3[%mul3A_39, %dma_wait3A_344] : memref<20480x128xi32, #tpu.memory_space<hbm>> -> memref<16x128xi32, #tpu.memory_space<hbm>>
          %dma_wait3A_346 = arith.constant 0 : i32
          %dma_wait3A_347 = arith.constant 0 : i32
          %dma_wait3A_348 = tpu.memref_slice %arg8[%rem3A_308, %dma_wait3A_346, %dma_wait3A_347] : memref<2x16x128xi32, #tpu.memory_space<vmem>> -> memref<1x16x128xi32, #tpu.memory_space<vmem>>
          %dma_wait3A_349 = tpu.memref_squeeze %dma_wait3A_348 : memref<1x16x128xi32, #tpu.memory_space<vmem>> -> memref<16x128xi32, #tpu.memory_space<vmem>>
          %dma_wait3A_350 = arith.constant 0 : i32
          %dma_wait3A_351 = tpu.memref_slice %arg3[%mul3A_39, %dma_wait3A_350] : memref<20480x128xi32, #tpu.memory_space<hbm>> -> memref<16x128xi32, #tpu.memory_space<hbm>>
          tpu.wait_dma2 semaphore(%arg14 : memref<!tpu.dma_semaphore, #tpu.memory_space<semaphore_mem>>) src(%dma_wait3A_351 : memref<16x128xi32, #tpu.memory_space<hbm>>) dst(%dma_wait3A_349 : memref<16x128xi32, #tpu.memory_space<vmem>>)
          %dma_wait3A_352 = arith.constant 0 : i32
          %dma_wait3A_353 = arith.constant 0 : i32
          %dma_wait3A_354 = tpu.memref_slice %arg9[%rem3A_308, %dma_wait3A_352, %dma_wait3A_353] : memref<2x16x128xf32, #tpu.memory_space<vmem>> -> memref<1x16x128xf32, #tpu.memory_space<vmem>>
          %dma_wait3A_355 = tpu.memref_squeeze %dma_wait3A_354 : memref<1x16x128xf32, #tpu.memory_space<vmem>> -> memref<16x128xf32, #tpu.memory_space<vmem>>
          %dma_wait3A_356 = arith.constant 0 : i32
          %dma_wait3A_357 = tpu.memref_slice %arg4[%mul3A_39, %dma_wait3A_356] : memref<20480x128xf32, #tpu.memory_space<hbm>> -> memref<16x128xf32, #tpu.memory_space<hbm>>
          %dma_wait3A_358 = arith.constant 0 : i32
          %dma_wait3A_359 = arith.constant 0 : i32
          %dma_wait3A_360 = tpu.memref_slice %arg9[%rem3A_308, %dma_wait3A_358, %dma_wait3A_359] : memref<2x16x128xf32, #tpu.memory_space<vmem>> -> memref<1x16x128xf32, #tpu.memory_space<vmem>>
          %dma_wait3A_361 = tpu.memref_squeeze %dma_wait3A_360 : memref<1x16x128xf32, #tpu.memory_space<vmem>> -> memref<16x128xf32, #tpu.memory_space<vmem>>
          %dma_wait3A_362 = arith.constant 0 : i32
          %dma_wait3A_363 = tpu.memref_slice %arg4[%mul3A_39, %dma_wait3A_362] : memref<20480x128xf32, #tpu.memory_space<hbm>> -> memref<16x128xf32, #tpu.memory_space<hbm>>
          tpu.wait_dma2 semaphore(%arg14 : memref<!tpu.dma_semaphore, #tpu.memory_space<semaphore_mem>>) src(%dma_wait3A_363 : memref<16x128xf32, #tpu.memory_space<hbm>>) dst(%dma_wait3A_361 : memref<16x128xf32, #tpu.memory_space<vmem>>)
        } else {
        }
        %rem3A_316 = arith.constant 8 : i32
        %rem3A_317 = arith.remsi %add3A_304, %rem3A_316 : i32
        %dma_start3A_318 = arith.constant 0 : i32
        %dma_start3A_319 = arith.constant 0 : i32
        %dma_start3A_320 = tpu.memref_slice %arg10[%rem3A_317, %dma_start3A_318, %dma_start3A_319] : memref<8x128x32xbf16, #tpu.memory_space<vmem>> -> memref<1x128x32xbf16, #tpu.memory_space<vmem>>
        %dma_start3A_321 = tpu.memref_squeeze %dma_start3A_320 : memref<1x128x32xbf16, #tpu.memory_space<vmem>> -> memref<128x32xbf16, #tpu.memory_space<vmem>>
        %dma_start3A_322 = arith.constant 0 : i32
        %dma_start3A_323 = tpu.memref_slice %arg7[%rem3A_308, %rem3A_310, %dma_start3A_322] : memref<2x16x128xi32, #tpu.memory_space<vmem>> -> memref<1x1x128xi32, #tpu.memory_space<vmem>>
        %dma_start3A_324 = tpu.memref_squeeze %dma_start3A_323 : memref<1x1x128xi32, #tpu.memory_space<vmem>> -> memref<128xi32, #tpu.memory_space<vmem>>
        %dma_start3A_325 = arith.constant 0 : i32
        %dma_start3A_326 = arith.constant 0 : i32
        %dma_start3A_327 = tpu.memref_slice %arg5[%dma_start3A_325, %dma_start3A_326] : memref<16384x32xbf16, #tpu.memory_space<hbm>> -> memref<16384x32xbf16, #tpu.memory_space<hbm>>
        tpu.enqueue_indirect_dma source(%dma_start3A_327 : memref<16384x32xbf16, #tpu.memory_space<hbm>>) target(%dma_start3A_321 : memref<128x32xbf16, #tpu.memory_space<vmem>>) offsets(%dma_start3A_324 : memref<128xi32, #tpu.memory_space<vmem>>) semaphore(%arg15 : memref<!tpu.dma_semaphore, #tpu.memory_space<semaphore_mem>>)
      } else {
      }
      %dma_start3A_293 = arith.constant 0 : i32
      %dma_start3A_294 = arith.constant 0 : i32
      %dma_start3A_295 = tpu.memref_slice %arg11[%rem3A_252, %dma_start3A_293, %dma_start3A_294] : memref<8x128x32xf32, #tpu.memory_space<vmem>> -> memref<1x128x32xf32, #tpu.memory_space<vmem>>
      %dma_start3A_296 = tpu.memref_squeeze %dma_start3A_295 : memref<1x128x32xf32, #tpu.memory_space<vmem>> -> memref<128x32xf32, #tpu.memory_space<vmem>>
      %dma_start3A_297 = arith.constant 0 : i32
      %dma_start3A_298 = tpu.memref_slice %arg8[%rem3A_257, %rem3A_255, %dma_start3A_297] : memref<2x16x128xi32, #tpu.memory_space<vmem>> -> memref<1x1x128xi32, #tpu.memory_space<vmem>>
      %dma_start3A_299 = tpu.memref_squeeze %dma_start3A_298 : memref<1x1x128xi32, #tpu.memory_space<vmem>> -> memref<128xi32, #tpu.memory_space<vmem>>
      %dma_start3A_300 = arith.constant 0 : i32
      %dma_start3A_301 = arith.constant 0 : i32
      %dma_start3A_302 = tpu.memref_slice %arg13[%dma_start3A_300, %dma_start3A_301] : memref<16384x32xf32, #tpu.memory_space<vmem_shared>> -> memref<16384x32xf32, #tpu.memory_space<vmem_shared>>
      tpu.enqueue_indirect_dma source(%dma_start3A_296 : memref<128x32xf32, #tpu.memory_space<vmem>>) target(%dma_start3A_302 : memref<16384x32xf32, #tpu.memory_space<vmem_shared>>) offsets(%dma_start3A_299 : memref<128xi32, #tpu.memory_space<vmem>>) semaphore(%arg16 : memref<!tpu.dma_semaphore, #tpu.memory_space<semaphore_mem>>) {add = true}
    }
    %scan3A_178 = arith.constant 640 : i32
    %dma_wait3A_179 = arith.constant 4 : i32
    %dma_wait3A_180 = arith.constant 0 : i32
    %dma_wait3A_181 = arith.constant 0 : i32
    %dma_wait3A_182 = tpu.memref_slice %arg11[%dma_wait3A_179, %dma_wait3A_180, %dma_wait3A_181] : memref<8x128x32xf32, #tpu.memory_space<vmem>> -> memref<1x128x32xf32, #tpu.memory_space<vmem>>
    %dma_wait3A_183 = tpu.memref_squeeze %dma_wait3A_182 : memref<1x128x32xf32, #tpu.memory_space<vmem>> -> memref<128x32xf32, #tpu.memory_space<vmem>>
    %dma_wait3A_184 = arith.constant 0 : i32
    %dma_wait3A_185 = arith.constant 0 : i32
    %dma_wait3A_186 = tpu.memref_slice %arg6[%dma_wait3A_184, %dma_wait3A_185] : memref<32768x32xf32, #tpu.memory_space<hbm>> -> memref<128x32xf32, #tpu.memory_space<hbm>>
    %dma_wait3A_187 = arith.constant 0 : i32
    %dma_wait3A_188 = arith.constant 0 : i32
    %dma_wait3A_189 = tpu.memref_slice %arg11[%dma_wait3A_179, %dma_wait3A_187, %dma_wait3A_188] : memref<8x128x32xf32, #tpu.memory_space<vmem>> -> memref<1x128x32xf32, #tpu.memory_space<vmem>>
    %dma_wait3A_190 = tpu.memref_squeeze %dma_wait3A_189 : memref<1x128x32xf32, #tpu.memory_space<vmem>> -> memref<128x32xf32, #tpu.memory_space<vmem>>
    %dma_wait3A_191 = arith.constant 0 : i32
    %dma_wait3A_192 = arith.constant 0 : i32
    %dma_wait3A_193 = tpu.memref_slice %arg6[%dma_wait3A_191, %dma_wait3A_192] : memref<32768x32xf32, #tpu.memory_space<hbm>> -> memref<128x32xf32, #tpu.memory_space<hbm>>
    tpu.wait_dma2 semaphore(%arg16 : memref<!tpu.dma_semaphore, #tpu.memory_space<semaphore_mem>>) src(%dma_wait3A_193 : memref<128x32xf32, #tpu.memory_space<hbm>>) dst(%dma_wait3A_190 : memref<128x32xf32, #tpu.memory_space<vmem>>)
    %dma_wait3A_194 = arith.constant 5 : i32
    %dma_wait3A_195 = arith.constant 0 : i32
    %dma_wait3A_196 = arith.constant 0 : i32
    %dma_wait3A_197 = tpu.memref_slice %arg11[%dma_wait3A_194, %dma_wait3A_195, %dma_wait3A_196] : memref<8x128x32xf32, #tpu.memory_space<vmem>> -> memref<1x128x32xf32, #tpu.memory_space<vmem>>
    %dma_wait3A_198 = tpu.memref_squeeze %dma_wait3A_197 : memref<1x128x32xf32, #tpu.memory_space<vmem>> -> memref<128x32xf32, #tpu.memory_space<vmem>>
    %dma_wait3A_199 = arith.constant 0 : i32
    %dma_wait3A_200 = arith.constant 0 : i32
    %dma_wait3A_201 = tpu.memref_slice %arg6[%dma_wait3A_199, %dma_wait3A_200] : memref<32768x32xf32, #tpu.memory_space<hbm>> -> memref<128x32xf32, #tpu.memory_space<hbm>>
    %dma_wait3A_202 = arith.constant 0 : i32
    %dma_wait3A_203 = arith.constant 0 : i32
    %dma_wait3A_204 = tpu.memref_slice %arg11[%dma_wait3A_194, %dma_wait3A_202, %dma_wait3A_203] : memref<8x128x32xf32, #tpu.memory_space<vmem>> -> memref<1x128x32xf32, #tpu.memory_space<vmem>>
    %dma_wait3A_205 = tpu.memref_squeeze %dma_wait3A_204 : memref<1x128x32xf32, #tpu.memory_space<vmem>> -> memref<128x32xf32, #tpu.memory_space<vmem>>
    %dma_wait3A_206 = arith.constant 0 : i32
    %dma_wait3A_207 = arith.constant 0 : i32
    %dma_wait3A_208 = tpu.memref_slice %arg6[%dma_wait3A_206, %dma_wait3A_207] : memref<32768x32xf32, #tpu.memory_space<hbm>> -> memref<128x32xf32, #tpu.memory_space<hbm>>
    tpu.wait_dma2 semaphore(%arg16 : memref<!tpu.dma_semaphore, #tpu.memory_space<semaphore_mem>>) src(%dma_wait3A_208 : memref<128x32xf32, #tpu.memory_space<hbm>>) dst(%dma_wait3A_205 : memref<128x32xf32, #tpu.memory_space<vmem>>)
    %dma_wait3A_209 = arith.constant 6 : i32
    %dma_wait3A_210 = arith.constant 0 : i32
    %dma_wait3A_211 = arith.constant 0 : i32
    %dma_wait3A_212 = tpu.memref_slice %arg11[%dma_wait3A_209, %dma_wait3A_210, %dma_wait3A_211] : memref<8x128x32xf32, #tpu.memory_space<vmem>> -> memref<1x128x32xf32, #tpu.memory_space<vmem>>
    %dma_wait3A_213 = tpu.memref_squeeze %dma_wait3A_212 : memref<1x128x32xf32, #tpu.memory_space<vmem>> -> memref<128x32xf32, #tpu.memory_space<vmem>>
    %dma_wait3A_214 = arith.constant 0 : i32
    %dma_wait3A_215 = arith.constant 0 : i32
    %dma_wait3A_216 = tpu.memref_slice %arg6[%dma_wait3A_214, %dma_wait3A_215] : memref<32768x32xf32, #tpu.memory_space<hbm>> -> memref<128x32xf32, #tpu.memory_space<hbm>>
    %dma_wait3A_217 = arith.constant 0 : i32
    %dma_wait3A_218 = arith.constant 0 : i32
    %dma_wait3A_219 = tpu.memref_slice %arg11[%dma_wait3A_209, %dma_wait3A_217, %dma_wait3A_218] : memref<8x128x32xf32, #tpu.memory_space<vmem>> -> memref<1x128x32xf32, #tpu.memory_space<vmem>>
    %dma_wait3A_220 = tpu.memref_squeeze %dma_wait3A_219 : memref<1x128x32xf32, #tpu.memory_space<vmem>> -> memref<128x32xf32, #tpu.memory_space<vmem>>
    %dma_wait3A_221 = arith.constant 0 : i32
    %dma_wait3A_222 = arith.constant 0 : i32
    %dma_wait3A_223 = tpu.memref_slice %arg6[%dma_wait3A_221, %dma_wait3A_222] : memref<32768x32xf32, #tpu.memory_space<hbm>> -> memref<128x32xf32, #tpu.memory_space<hbm>>
    tpu.wait_dma2 semaphore(%arg16 : memref<!tpu.dma_semaphore, #tpu.memory_space<semaphore_mem>>) src(%dma_wait3A_223 : memref<128x32xf32, #tpu.memory_space<hbm>>) dst(%dma_wait3A_220 : memref<128x32xf32, #tpu.memory_space<vmem>>)
    %dma_wait3A_224 = arith.constant 7 : i32
    %dma_wait3A_225 = arith.constant 0 : i32
    %dma_wait3A_226 = arith.constant 0 : i32
    %dma_wait3A_227 = tpu.memref_slice %arg11[%dma_wait3A_224, %dma_wait3A_225, %dma_wait3A_226] : memref<8x128x32xf32, #tpu.memory_space<vmem>> -> memref<1x128x32xf32, #tpu.memory_space<vmem>>
    %dma_wait3A_228 = tpu.memref_squeeze %dma_wait3A_227 : memref<1x128x32xf32, #tpu.memory_space<vmem>> -> memref<128x32xf32, #tpu.memory_space<vmem>>
    %dma_wait3A_229 = arith.constant 0 : i32
    %dma_wait3A_230 = arith.constant 0 : i32
    %dma_wait3A_231 = tpu.memref_slice %arg6[%dma_wait3A_229, %dma_wait3A_230] : memref<32768x32xf32, #tpu.memory_space<hbm>> -> memref<128x32xf32, #tpu.memory_space<hbm>>
    %dma_wait3A_232 = arith.constant 0 : i32
    %dma_wait3A_233 = arith.constant 0 : i32
    %dma_wait3A_234 = tpu.memref_slice %arg11[%dma_wait3A_224, %dma_wait3A_232, %dma_wait3A_233] : memref<8x128x32xf32, #tpu.memory_space<vmem>> -> memref<1x128x32xf32, #tpu.memory_space<vmem>>
    %dma_wait3A_235 = tpu.memref_squeeze %dma_wait3A_234 : memref<1x128x32xf32, #tpu.memory_space<vmem>> -> memref<128x32xf32, #tpu.memory_space<vmem>>
    %dma_wait3A_236 = arith.constant 0 : i32
    %dma_wait3A_237 = arith.constant 0 : i32
    %dma_wait3A_238 = tpu.memref_slice %arg6[%dma_wait3A_236, %dma_wait3A_237] : memref<32768x32xf32, #tpu.memory_space<hbm>> -> memref<128x32xf32, #tpu.memory_space<hbm>>
    tpu.wait_dma2 semaphore(%arg16 : memref<!tpu.dma_semaphore, #tpu.memory_space<semaphore_mem>>) src(%dma_wait3A_238 : memref<128x32xf32, #tpu.memory_space<hbm>>) dst(%dma_wait3A_235 : memref<128x32xf32, #tpu.memory_space<vmem>>)
    %barrier3A_239 = arith.constant 0 : index
    tpu.barrier barrier_id(%barrier3A_239)
    %mul3A_240 = arith.constant 1024 : i32
    %mul3A_241 = arith.muli %arg1, %mul3A_240 : i32
    %mul3A_242 = arith.constant 16384 : i32
    %mul3A_243 = arith.muli %arg0, %mul3A_242 : i32
    %mul3A_244 = arith.constant 1024 : i32
    %mul3A_245 = arith.muli %arg1, %mul3A_244 : i32
    %add3A_246 = arith.addi %mul3A_243, %mul3A_245 : i32
    "tpu.region"() ({
      %run_scoped3A = tpu.sem_alloc : memref<!tpu.dma_semaphore, #tpu.memory_space<semaphore_mem>>
      %dma_start3A_247 = arith.constant 0 : i32
      %dma_start3A_248 = tpu.memref_slice %arg6[%add3A_246, %dma_start3A_247] : memref<32768x32xf32, #tpu.memory_space<hbm>> -> memref<1024x32xf32, #tpu.memory_space<hbm>>
      %dma_start3A_249 = arith.constant 0 : i32
      %dma_start3A_250 = tpu.memref_slice %arg13[%mul3A_241, %dma_start3A_249] : memref<16384x32xf32, #tpu.memory_space<vmem_shared>> -> memref<1024x32xf32, #tpu.memory_space<vmem_shared>>
      tpu.enqueue_dma source(%dma_start3A_250 : memref<1024x32xf32, #tpu.memory_space<vmem_shared>>) target(%dma_start3A_248 : memref<1024x32xf32, #tpu.memory_space<hbm>>) target_semaphore(%run_scoped3A : memref<!tpu.dma_semaphore, #tpu.memory_space<semaphore_mem>>)
      %dma_wait3A_251 = arith.constant 0 : i32
      %dma_wait3A_252 = tpu.memref_slice %arg6[%add3A_246, %dma_wait3A_251] : memref<32768x32xf32, #tpu.memory_space<hbm>> -> memref<1024x32xf32, #tpu.memory_space<hbm>>
      %dma_wait3A_253 = arith.constant 0 : i32
      %dma_wait3A_254 = tpu.memref_slice %arg13[%mul3A_241, %dma_wait3A_253] : memref<16384x32xf32, #tpu.memory_space<vmem_shared>> -> memref<1024x32xf32, #tpu.memory_space<vmem_shared>>
      tpu.wait_dma2 semaphore(%run_scoped3A : memref<!tpu.dma_semaphore, #tpu.memory_space<semaphore_mem>>) src(%dma_wait3A_254 : memref<1024x32xf32, #tpu.memory_space<vmem_shared>>) dst(%dma_wait3A_252 : memref<1024x32xf32, #tpu.memory_space<hbm>>)
      tpu.yield
    }) : () -> ()
    return
  }
}

module attributes {stable_mosaic.version = 14 : i64} {
  func.func @body(%arg0: i32, %arg1: memref<2x2048x32xf32, #tpu.memory_space<vmem>>, %arg2: memref<32x32xf32, #tpu.memory_space<vmem>>, %arg3: memref<32x1xf32, #tpu.memory_space<vmem>>, %arg4: memref<2x16x2048xf32, #tpu.memory_space<vmem>>) attributes {dimension_semantics = [#tpu.dimension_semantics<arbitrary>], iteration_bounds = array<i64: 8>, scalar_prefetch = 0 : i64, scratch_operands = 0 : i64, tpu.core_type = #tpu.core_type<tc>, window_params = [{transform_indices = @transform_0, window_bounds = array<i64: 2, 2048, 32>}, {pipeline_mode = #tpu.pipeline_mode<synchronous>, transform_indices = @transform_1, window_bounds = array<i64: 32, 32>}, {pipeline_mode = #tpu.pipeline_mode<synchronous>, transform_indices = @transform_2, window_bounds = array<i64: 32, 1>}, {transform_indices = @transform_3, window_bounds = array<i64: 2, 16, 2048>}]} {
    %get3A = arith.constant 0 : index
    %get3A_0 = arith.constant 0 : index
    %get3A_1 = arith.constant 0 : index
    %get3A_2 = vector.load %arg1[%get3A, %get3A_0, %get3A_1] : memref<2x2048x32xf32, #tpu.memory_space<vmem>>, vector<1x2048x32xf32>
    %get3A_3 = vector.shape_cast %get3A_2 : vector<1x2048x32xf32> to vector<2048x32xf32>
    %get3A_4 = arith.constant 1 : index
    %get3A_5 = arith.constant 0 : index
    %get3A_6 = arith.constant 0 : index
    %get3A_7 = vector.load %arg1[%get3A_4, %get3A_5, %get3A_6] : memref<2x2048x32xf32, #tpu.memory_space<vmem>>, vector<1x2048x32xf32>
    %get3A_8 = vector.shape_cast %get3A_7 : vector<1x2048x32xf32> to vector<2048x32xf32>
    %add3A = arith.addf %get3A_3, %get3A_8 : vector<2048x32xf32>
    %get3A_9 = arith.constant 0 : index
    %get3A_10 = arith.constant 0 : index
    %get3A_11 = vector.load %arg2[%get3A_9, %get3A_10] : memref<32x32xf32, #tpu.memory_space<vmem>>, vector<32x32xf32>
    %dot_general3A = arith.constant dense<0.000000e+00> : vector<32x2048xf32>
    %dot_general3A_12 = tpu.matmul %get3A_11, %add3A, %dot_general3A {dimension_numbers = #tpu.dot_dimension_numbers<[0], [1], [1], [0], [0, 1, 1, 0], [], []>, transpose_lhs_hint = false} : vector<32x32xf32>, vector<2048x32xf32>, vector<32x2048xf32> -> vector<32x2048xf32>
    %get3A_13 = arith.constant 0 : index
    %get3A_14 = arith.constant 0 : index
    %get3A_15 = vector.load %arg3[%get3A_13, %get3A_14] : memref<32x1xf32, #tpu.memory_space<vmem>>, vector<32x1xf32>
    %add3A_16 = vector.broadcast %get3A_15 : vector<32x1xf32> to vector<32x2048xf32>
    %add3A_17 = arith.addf %dot_general3A_12, %add3A_16 : vector<32x2048xf32>
    %reshape3A = vector.shape_cast %add3A_17 : vector<32x2048xf32> to vector<2x16x2048xf32>
    %swap3A = arith.constant 0 : index
    %swap3A_18 = arith.constant 0 : index
    %swap3A_19 = arith.constant 0 : index
    %swap3A_20 = vector.load %arg4[%swap3A, %swap3A_18, %swap3A_19] : memref<2x16x2048xf32, #tpu.memory_space<vmem>>, vector<2x16x2048xf32>
    tpu.vector_store %arg4[%swap3A, %swap3A_18, %swap3A_19], %reshape3A {strides = array<i32>} : memref<2x16x2048xf32, #tpu.memory_space<vmem>>, vector<2x16x2048xf32>,
    return
  }
  func.func @transform_0(%arg0: i32) -> (i32, i32, i32) {
    %c0_i32 = arith.constant 0 : i32
    %c0_i32_0 = arith.constant 0 : i32
    %c0_i32_1 = arith.constant 0 : i32
    return %c0_i32, %arg0, %c0_i32_0 : i32, i32, i32
  }
  func.func @transform_1(%arg0: i32) -> (i32, i32) {
    %c0_i32 = arith.constant 0 : i32
    %c0_i32_0 = arith.constant 0 : i32
    %c0_i32_1 = arith.constant 0 : i32
    return %c0_i32, %c0_i32_0 : i32, i32
  }
  func.func @transform_2(%arg0: i32) -> (i32, i32) {
    %c0_i32 = arith.constant 0 : i32
    %c0_i32_0 = arith.constant 0 : i32
    %c0_i32_1 = arith.constant 0 : i32
    return %c0_i32, %c0_i32_0 : i32, i32
  }
  func.func @transform_3(%arg0: i32) -> (i32, i32, i32) {
    %c0_i32 = arith.constant 0 : i32
    %c0_i32_0 = arith.constant 0 : i32
    %c0_i32_1 = arith.constant 0 : i32
    return %c0_i32, %c0_i32_0, %arg0 : i32, i32, i32
  }
}

</mosaic_0001>

<sc_bundles>
// kernel: kernel.4.cloned.1.call-start
scs
__scs_entry_jumppad:
0x0: {  	(pc) =	sbr.rel $0x88, $3  }
0x1: {  	(tag) =	ssettag $0x0;
	lr =	simm.s32 $0x1  }
0x2: {  	[smem:$0x3F9C] =	sst lr;
	_ =	strace $0xD0000000  }
0x3: {  	_ = 	snop  }
0x4: {  	_ = 	snop  }
0x5: {  	_ = 	snop  }
0x6: {  	_ = 	snop  }
0x7: {  	_ = 	snop  }
__scs_overlays_trampoline_lowered:
0x8: {  	[smem:$0x3FAB] =	sst s0  }
0x9: {  	[smem:$0x3FAC] =	sst s1  }
0xa: {  	[smem:$0x3FAD] =	sst s2  }
0xb: {  	[smem:$0x3FAE] =	sst s3  }
0xc: {  	[smem:$0x3FAF] =	sst s4  }
0xd: {  	[smem:$0x3FB0] =	sst s5  }
0xe: {  	[smem:$0x3FB1] =	sst s6  }
0xf: {  	[smem:$0x3FB2] =	sst s7  }
0x10: {  	[smem:$0x3FB3] =	sst s8  }
0x11: {  	[smem:$0x3FB4] =	sst s9;
	s0 =	simm.s32 @!p0 $0x0  }
0x12: {  	s1 =	sld [smem:$0x3F9A];
	s0 =	simm.s32 @p0 $0x1  }
0x13: {  	[smem:$0x3FB5] =	sst s0;
	s0 =	simm.s32 @!p1 $0x0  }
0x14: {  	s2 =	sld [smem:$0x3F99];
	s0 =	simm.s32 @p1 $0x1  }
0x15: {  	[smem:$0x3FB6] =	sst s0;
	s0 =	simm.s32 @!p2 $0x0  }
0x16: {  	s3 =	sld [smem:$0x3FDB];
	s0 =	simm.s32 @p2 $0x1  }
0x17: {  	s4 =	simm.s32 $0x1BF5;
	[smem:$0x3FB8] =	sst s0  }
0x18: {  	s0 =	sld [smem:$0x3F9B];
	_ =	swait.ge [sflag:s4], $0x0  }
0x19: {  	s7 =	sld [smem:$0x3F9C]  }
0x1a: {  	s8 =	sadd.s32 $0xFFFFE003, lr  }
0x1b: {  	s9 =	sadd.s32 $0xFFFFFEF7, lr;
	s5 =	simm.s32 $0xFFFFFFFF;
	p2 =	slt.u32 s8, $0xFFFFF086  }
0x1c: {  	p1 =	slt.u32 s9, $0xF7A;
	s5 =	simm.s32 @!p2 $0x0  }
0x1d: {  	s5 =	simm.s32 @p1 $0x1;
	p0 =	seq.s32 s7, s2  }
0x1e: {  	s7 =	smul.u32 @!p0 $0xF7A, s2;
	p2 =	seq.s32 @!p0 s5, $0x0  }
0x1f: {  	s9 =	smul.u32 $0xF7A, s1;
	s8 =	simm.s32 @!p0 $0x1BF5;
	p2 =	por !p2, p0  }
0x20: {  	[sflag:s8] =	ssyncset.s32 @!p0 $0xFFFFF086;
	s6 =	sadd.s32 @!p0 s3, s7;
	s7 =	simm.s32 @!p0 $0x108  }
0x21: {  	s3 =	sadd.s32 s3, s9;
	s6 =	sadd.s32 @!p0 $0x88, s6;
	s7 =	simm.s32 @p2 $0x1082  }
0x22: {  	[simem:s7], [sflag:s8] =	dma.local @!p0 [hbm:s6], $0xF7A  }
0x23: {  	s9 =	sor.u32 $0xD0000000, s2;
	s6 =	simm.s32 $0x108;
	_ =	swait.ge @!p0 [sflag:s8], $0x0  }
0x24: {  	s3 =	sadd.s32 $0x88, s3;
	s6 =	simm.s32 @!p1 $0x1082;
	[sflag:s4] =	ssyncset.s32 $0xFFFFF086  }
0x25: {  	[simem:s6], [sflag:s4] =	dma.local [hbm:s3], $0xF7A  }
0x26: {  	[smem:$0x3F9C] =	sst s1;
	(tag) =	ssettag s2;
	_ =	strace s9  }
0x27: {  	s1 =	sld [smem:$0x3FAC]  }
0x28: {  	s2 =	sld [smem:$0x3FAD]  }
0x29: {  	s4 =	sld [smem:$0x3FAF]  }
0x2a: {  	p0 =	seq.s32 s5, $0x0;
	s5 =	sld [smem:$0x3FB0]  }
0x2b: {  	s6 =	sld [smem:$0x3FB1]  }
0x2c: {  	s7 =	sld [smem:$0x3FB2]  }
0x2d: {  	s3 =	simm.s32 $0x108;
	s8 =	sld [smem:$0x3FB3]  }
0x2e: {  	s3 =	simm.s32 @!p0 $0x1082;
	s9 =	sld [smem:$0x3FB4]  }
0x2f: {  	lr =	sadd.s32 s0, s3;
	s0 =	sld [smem:$0x3FAB]  }
0x30: {  	s3 =	sld [smem:$0x3FAE]  }
0x31: {  	[smem:$0x3FB7] =	sst s10  }
0x32: {  	s10 =	sld [smem:$0x3FB5];
	_ =	sdelay $0x3  }
0x33: {  	p0 =	seq.s32 s10, $0x1;
	s10 =	sld [smem:$0x3FB7];
	_ =	sdelay $0x3  }
0x34: {  	[smem:$0x3FB7] =	sst s10  }
0x35: {  	s10 =	sld [smem:$0x3FB6];
	_ =	sdelay $0x3  }
0x36: {  	p1 =	seq.s32 s10, $0x1;
	s10 =	sld [smem:$0x3FB7];
	_ =	sdelay $0x3  }
0x37: {  	[smem:$0x3FB7] =	sst s10  }
0x38: {  	s10 =	sld [smem:$0x3FB8]  }
0x39: {  	_ = 	snop;
	(pc) =	sbr.ind lr, $3  }
0x3a: {  	_ = 	snop  }
0x3b: {  	_ = 	snop  }
0x3c: {  	p2 =	seq.s32 s10, $0x1;
	s10 =	sld [smem:$0x3FB7]  }
0x3d: {  	_ =	shalt  }
0x3e: {  	_ =	shalt  }
0x3f: {  	_ =	shalt  }
0x40: {  	_ =	shalt  }
0x41: {  	_ =	shalt  }
0x42: {  	_ =	shalt  }
0x43: {  	_ =	shalt  }
0x44: {  	_ =	shalt  }
0x45: {  	_ =	shalt  }
0x46: {  	_ =	shalt  }
0x47: {  	_ =	shalt  }
0x48: {  	_ =	shalt  }
0x49: {  	_ =	shalt  }
0x4a: {  	_ =	shalt  }
0x4b: {  	_ =	shalt  }
0x4c: {  	_ =	shalt  }
0x4d: {  	_ =	shalt  }
0x4e: {  	_ =	shalt  }
0x4f: {  	_ =	shalt  }
0x50: {  	_ =	shalt  }
0x51: {  	_ =	shalt  }
0x52: {  	_ =	shalt  }
0x53: {  	_ =	shalt  }
0x54: {  	_ =	shalt  }
0x55: {  	_ =	shalt  }
0x56: {  	_ =	shalt  }
0x57: {  	_ =	shalt  }
0x58: {  	_ =	shalt  }
0x59: {  	_ =	shalt  }
0x5a: {  	_ =	shalt  }
0x5b: {  	_ =	shalt  }
0x5c: {  	_ =	shalt  }
0x5d: {  	_ =	shalt  }
0x5e: {  	_ =	shalt  }
0x5f: {  	_ =	shalt  }
0x60: {  	_ =	shalt  }
0x61: {  	_ =	shalt  }
0x62: {  	_ =	shalt  }
0x63: {  	_ =	shalt  }
0x64: {  	_ =	shalt  }
0x65: {  	_ =	shalt  }
0x66: {  	_ =	shalt  }
0x67: {  	_ =	shalt  }
0x68: {  	_ =	shalt  }
0x69: {  	_ =	shalt  }
0x6a: {  	_ =	shalt  }
0x6b: {  	_ =	shalt  }
0x6c: {  	_ =	shalt  }
0x6d: {  	_ =	shalt  }
0x6e: {  	_ =	shalt  }
0x6f: {  	_ =	shalt  }
0x70: {  	_ =	shalt  }
0x71: {  	_ =	shalt  }
0x72: {  	_ =	shalt  }
0x73: {  	_ =	shalt  }
0x74: {  	_ =	shalt  }
0x75: {  	_ =	shalt  }
0x76: {  	_ =	shalt  }
0x77: {  	_ =	shalt  }
0x78: {  	_ =	shalt  }
0x79: {  	_ =	shalt  }
0x7a: {  	_ =	shalt  }
0x7b: {  	_ =	shalt  }
0x7c: {  	_ =	shalt  }
0x7d: {  	_ =	shalt  }
0x7e: {  	_ =	shalt  }
0x7f: {  	_ =	shalt  }
0x80: {  	_ =	shalt  }
0x81: {  	_ =	shalt  }
0x82: {  	_ =	shalt  }
0x83: {  	_ =	shalt  }
0x84: {  	_ =	shalt  }
0x85: {  	_ =	shalt  }
0x86: {  	_ =	shalt  }
0x87: {  	_ =	shalt  }
.Lfunc_end0:
.L_simem_size_0:
called_computation_lowered:
.L_overlay_start_0:
0x88: {  	s2 =	sld [smem:$0x3FD9]  }
0x89: {  	s3 =	sld [smem:$0x3FFE];
	_ =	sdelay $0x1  }
0x8a: {  	s1 =	srdreg.scid  }
0x8b: {  	s0 =	sand.u32 $0x1, s1  }
0x8c: {  	s17 =	sshll.u32 s0, $0xA;
	s2 =	sadd.s32 s3, s2  }
0x8d: {  	s2 =	sadd.s32 s2, s17  }
0x8e: {  	[smem:$0x3FC3] =	sst s2  }
0x8f: {  	_ = 	snop  }
0x90: {  	s2 =	sld [smem:$0x3FC8]  }
0x91: {  	s18 =	sld [smem:$0x3FD0];
	(tm) =	ssettm $0x1  }
0x92: {  	s4 =	sld [smem:$0x3FFB];
	_ =	sdelay $0x3  }
0x93: {  	_ =	strace s4  }
0x94: {  	s4 =	sld [smem:$0x3FFC];
	_ =	sdelay $0x3  }
0x95: {  	_ =	strace s4  }
0x96: {  	s4 =	sld [smem:$0x3FFD];
	_ =	sdelay $0x3  }
0x97: {  	_ =	strace s4  }
0x98: {  	_ =	strace $0x8FFFFFFF  }
0x99: {  	s19 =	sld [smem:$0x3FDB];
	_ =	sdelay $0x1  }
0x9a: {  	s5 =	simm.s32 $_scs_section_size  }
0x9b: {  	s6 =	simm.s32 $_size__tile_overlayer_lowered;
	s7 =	simm.s32 $_tile_overlayer_lowered  }
0x9c: {  	s22 =	simm.s32 $0x1BFF;
	s21 =	sshll.u32 s7, $0x1;
	s4 =	sadd.s32 s5, s19  }
0x9d: {  	s8 =	simm.s32 $0x0;
	s20 =	sshll.u32 s6, $0x1;
	s6 =	sadd.s32 s21, s4  }
0x9e: {  	[timem:s8], [sflag:s22] =	dma.local [hbm:s6], s20  }
0x9f: {  	_ =	swait.ge [sflag:s22], s20  }
0xa0: {  	s5 =	ssub.s32 $0x0, s20;
	[sflag:s22] =	ssyncset.done $0x0  }
0xa1: {  	[sflag:s22] =	ssyncadd.s32 s5;
	_ =	sdelay $0x1  }
0xa2: {  	s23 =	simm.s32 $0x1B8B  }
0xa3: {  	_ =	swait.ge [sflag:s23], $0x1  }
0xa4: {  	[sflag:s23] =	ssyncset.done $0x0  }
0xa5: {  	s25 =	simm.s32 $0x1B8E;
	s24 =	sld [smem:$0x3FFE];
	[sflag:s23] =	ssyncadd.s32 $0xFFFFFFFF  }
0xa6: {  	s26 =	simm.s32 $execute0_lowered;
	[smem:$0x3FD2] =	sst s25  }
0xa7: {  	s6 =	sshll.u32 s26, $0x1;
	_ =	strace $0x80000046;
	[dreg:$0x1] =	wrdreg $0xFFFFFFFF  }
0xa8: {  	s28 =	simm.s32 $_size_execute0_lowered;
	s4 =	sadd.s32 s4, s6;
	[dreg:$0x0] =	wrdreg $0x0  }
0xa9: {  	s6 =	sshll.u32 s28, $0x1;
	[dreg:$0x2] =	wrdreg s4  }
0xaa: {  	[dreg:$0x3] =	wrdreg s6  }
0xab: {  	[dreg:$0x4] =	wrdreg $0xC0  }
0xac: {  	_ =	task [dreg:s8], $0x5FFFF  }
0xad: {  	[dreg:$0x1] =	wrdreg $0xFFFFFFFF  }
0xae: {  	[dreg:$0x0] =	wrdreg $0x60  }
0xaf: {  	[dreg:$0x2] =	wrdreg s24  }
0xb0: {  	[dreg:$0x3] =	wrdreg s2  }
0xb1: {  	[dreg:$0x4] =	wrdreg s18  }
0xb2: {  	[dreg:$0x5] =	wrdreg $0x100000  }
0xb3: {  	[dreg:$0x6] =	wrdreg $0x9  }
0xb4: {  	_ =	task.clear_ibuf [dreg:s8], $0x7FFFF;
	_ =	strace $0x90000046  }
0xb5: {  	s29 =	simm.s32 $0x9;
	_ =	strace $0x80000048  }
0xb6: {  	_ =	swait.ge [sflag:s29], $0x1  }
0xb7: {  	[sflag:s29] =	ssyncadd.s32 $0xFFFFFFFF  }
0xb8: {  	_ =	strace $0x90000048  }
0xb9: {  	_ =	sfence  }
0xba: {  	s30 =	sld [smem:$0x0];
	_ =	sdelay $0x2  }
0xbb: {  	s31 =	sshll.u32 s1, $0xD;
	s1 =	sshrl.u32 s1, $0x2  }
0xbc: {  	s3 =	sand.u32 $0x4000, s31;
	s1 =	sadd.s32 s1, s30  }
0xbd: {  	s0 =	sor.u32 s3, s0;
	s1 =	sshll.u32 s1, $0x11  }
0xbe: {  	s0 =	sor.u32 s1, s0  }
0xbf: {  	s0 =	sadd.s32 $0x8F2B, s0  }
0xc0: {  	[sflag:s0] =	ssyncadd.remote.s32 $0x1  }
0xc1: {  	_ =	sfence.sel $0xFFFF  }
0xc2: {  	[dreg:$0x0] =	wrdreg $0xFFFFFFFF;
	(pc) =	sbr.abs _section_cstart, $3  }
0xc3: {  	[dreg:$0x1] =	wrdreg $0xFFFFFFFF  }
0xc4: {  	_ =	task.clear_ibuf [dreg:s8], $0x2FFFF;
	_ =	strace $0x9FFFFFFF  }
0xc5: {  	(tm) =	ssettm $0x7FFFFFFF  }
tec
execute0_lowered:
.L_overlay_start_1:
0x0: {  	(tag) =	ssettag $0x1  }
0x1: {  	s0 =	rddreg [dreg:$0x0]  }
0x2: {  	s1 =	rddreg [dreg:$0x1]  }
0x3: {  	s2 =	rddreg [dreg:$0x2]  }
0x4: {  	s3 =	rddreg [dreg:$0x3];
	s5 =	simm.s32 $0x0;
	s11 =	stileid.u32  }
0x5: {  	s4 =	srdreg.scid;
	s28 =	simm.s32 $0x80;
	s29 =	simm.s32 $0x2  }
0x6: {  	s30 =	simm.s32 $0x3;
	[smem:$0x7FF] =	sst s5;
	s6 =	sadd.s32 $0x50E00, s0  }
0x7: {  	s8 =	sshll.u32 s11, $0xC;
	s4 =	sand.u32 $0x1, s4;
	s7 =	sadd.s32 $0xE00, s0  }
0x8: {  	s10 =	sshll.u32 s11, $0x1;
	s11 =	sshll.u32 s11, $0xF;
	_ =	strace $0x80000047  }
0x9: {  	s0 =	sadd.s32 s8, s0;
	s21 =	ssub.s32 $0x2, s4;
	s8 =	sadd.s32 s11, s3  }
0xa: {  	s10 =	sor.u32 s4, s10;
	s4 =	sshll.u32 s4, $0x10;
	s11 =	sadd.s32 $0x1000, s8  }
0xb: {  	s9 =	sshrl.u32 s21, $0x1;
	s22 =	sadd.s32 $0x2000, s8;
	[dreg:$0x5] =	wrdreg s11  }
0xc: {  	s23 =	sadd.s32 $0x3000, s8;
	s24 =	sadd.s32 $0x4000, s8;
	[dreg:$0x6] =	wrdreg s22  }
0xd: {  	s25 =	sadd.s32 $0x5000, s8;
	s26 =	smul.u32 $0x2800, s10;
	[dreg:$0x7] =	wrdreg s23  }
0xe: {  	s12 =	sadd.s32 $0x6000, s8;
	s31 =	sadd.s32 $0x7000, s8;
	[dreg:$0x8] =	wrdreg s24  }
.Ltmp0:
0xf: {  	s0 =	sadd.s32 s4, s0;
	[dreg:$0x9] =	wrdreg s25;
	(pc) =	sbr.rel .LBB2_1-.Ltmp0, $4  }
0x10: {  	s19 =	smul.u32 $0x14000, s10;
	s9 =	ssub.s32 s21, s9;
	[dreg:$0xa] =	wrdreg s12  }
0x11: {  	[dreg:$0xb] =	wrdreg s31;
	s20 =	sadd.s32 $0xA0E00, s0;
	s22 =	simm.s32 $0xF000  }
0x12: {  	s23 =	simm.s32 $0x4;
	s16 =	sadd.s32 s6, s26;
	s17 =	sadd.s32 s7, s26  }
0x13: {  	v0 =	vimm.f32 $0.0e+00;
	s18 =	sadd.s32 s1, s26;
	s21 =	smax.u32 s9, $0x1;
	s26 =	simm.s32 $0x1  }
.LBB2_12:
0x14: {  	_ =	swait.ge [sflag:s30], $0x1000  }
0x15: {  	[sflag:s30] =	ssyncset.done $0x0  }
0x16: {  	[sflag:s30] =	ssyncadd.s32 $0xFFFFF000  }
0x17: {  	_ =	swait.ge [sflag:s30], $0x1000  }
0x18: {  	[sflag:s30] =	ssyncset.done $0x0  }
0x19: {  	[sflag:s30] =	ssyncadd.s32 $0xFFFFF000  }
0x1a: {  	_ =	swait.ge [sflag:s30], $0x1000  }
0x1b: {  	[sflag:s30] =	ssyncset.done $0x0  }
0x1c: {  	[sflag:s30] =	ssyncadd.s32 $0xFFFFF000  }
0x1d: {  	s0 =	stileid.u32;
	_ =	swait.ge [sflag:s30], $0x1000  }
0x1e: {  	s4 =	sshrl.u32 s8, $0x3;
	s5 =	sadd.s32 $0x1, s5;
	[sflag:s30] =	ssyncset.done $0x0  }
0x1f: {  	s0 =	sshll.u32 s0, $0x6;
	p0 =	sne.s32 s5, s21;
	[sflag:s30] =	ssyncadd.s32 $0xFFFFF000  }
.Ltmp1:
0x20: {  	s0 =	sor.u32 $0x1C04, s0;
	[bflag:$0x0] =	sbarrier.arrive $0xFFFF;
	(pc) =	sbr.rel @!p0 .LBB2_13-.Ltmp1, $4  }
0x21: {  	[hbm:s20], [sflag:s0] =	dma.local [spmem:s4], $0x1000  }
0x22: {  	_ =	swait.ge [sflag:s23], $0x1000  }
0x23: {  	[sflag:s23] =	ssyncset.done $0x0  }
0x24: {  	[sflag:s23] =	ssyncadd.s32 $0xFFFFF000  }
.LBB2_1:
0x25: {  	s0 =	simm.s32 $0x80;
	s4 =	simm.s32 $0x0  }
.LBB2_2:
0x26: {  	p0 =	sne.s32 s0, $0x3F80;
	[tilespmem:s4+$0xF000] =	vst v0;
	s9 =	smov.u32 s0;
	s0 =	sadd.s32 $0x80, s0  }
.Ltmp2:
0x27: {  	[tilespmem:s4+$0xF010] =	vst v0;
	(pc) =	sbr.rel @p0 .LBB2_2-.Ltmp2, $2  }
0x28: {  	_ =	sdelay $0x2  }
0x29: {  	s4 =	sshra.s32 s9, $0x2  }
0x2a: {  	[tilespmem:s4+$0xF000] =	vst v0  }
0x2b: {  	[tilespmem:s4+$0xF010] =	vst v0  }
0x2c: {  	[spmem:s8] =	stream.linear.scatter [tilespmem:s22], [sflag:$0x4], $0x1000, $0x38;
	[tilespmem:$0x18000] =	vst v63  }
0x2d: {  	_ =	swait.ge [sflag:s23], $0x1000  }
0x2e: {  	[sflag:s23] =	ssyncset.done $0x0  }
0x2f: {  	s0 =	rddreg [dreg:$0x5];
	[sflag:s23] =	ssyncadd.s32 $0xFFFFF000  }
0x30: {  	[spmem:s0] =	stream.linear.scatter [tilespmem:s22], [sflag:$0x4], $0x1000, $0x38;
	[tilespmem:$0x18000] =	vst v63  }
0x31: {  	_ =	swait.ge [sflag:s23], $0x1000  }
0x32: {  	[sflag:s23] =	ssyncset.done $0x0  }
0x33: {  	s14 =	rddreg [dreg:$0x6];
	[sflag:s23] =	ssyncadd.s32 $0xFFFFF000  }
0x34: {  	[spmem:s14] =	stream.linear.scatter [tilespmem:s22], [sflag:$0x4], $0x1000, $0x38;
	[tilespmem:$0x18000] =	vst v63  }
0x35: {  	_ =	swait.ge [sflag:s23], $0x1000  }
0x36: {  	[sflag:s23] =	ssyncset.done $0x0  }
0x37: {  	s15 =	rddreg [dreg:$0x7];
	[sflag:s23] =	ssyncadd.s32 $0xFFFFF000  }
0x38: {  	[spmem:s15] =	stream.linear.scatter [tilespmem:s22], [sflag:$0x4], $0x1000, $0x38;
	[tilespmem:$0x18000] =	vst v63  }
0x39: {  	_ =	swait.ge [sflag:s23], $0x1000  }
0x3a: {  	[sflag:s23] =	ssyncset.done $0x0  }
0x3b: {  	s24 =	rddreg [dreg:$0x8];
	[sflag:s23] =	ssyncadd.s32 $0xFFFFF000  }
0x3c: {  	[spmem:s24] =	stream.linear.scatter [tilespmem:s22], [sflag:$0x4], $0x1000, $0x38;
	[tilespmem:$0x18000] =	vst v63  }
0x3d: {  	_ =	swait.ge [sflag:s23], $0x1000  }
0x3e: {  	[sflag:s23] =	ssyncset.done $0x0  }
0x3f: {  	s25 =	rddreg [dreg:$0x9];
	[sflag:s23] =	ssyncadd.s32 $0xFFFFF000  }
0x40: {  	[spmem:s25] =	stream.linear.scatter [tilespmem:s22], [sflag:$0x4], $0x1000, $0x38;
	[tilespmem:$0x18000] =	vst v63  }
0x41: {  	_ =	swait.ge [sflag:s23], $0x1000  }
0x42: {  	[sflag:s23] =	ssyncset.done $0x0  }
0x43: {  	s4 =	rddreg [dreg:$0xa];
	[sflag:s23] =	ssyncadd.s32 $0xFFFFF000  }
0x44: {  	[spmem:s4] =	stream.linear.scatter [tilespmem:s22], [sflag:$0x4], $0x1000, $0x38;
	[tilespmem:$0x18000] =	vst v63  }
0x45: {  	_ =	swait.ge [sflag:s23], $0x1000  }
0x46: {  	[sflag:s23] =	ssyncset.done $0x0  }
0x47: {  	s9 =	rddreg [dreg:$0xb];
	[sflag:s23] =	ssyncadd.s32 $0xFFFFF000  }
0x48: {  	[spmem:s9] =	stream.linear.scatter [tilespmem:s22], [sflag:$0x4], $0x1000, $0x38;
	[tilespmem:$0x18000] =	vst v63  }
0x49: {  	_ =	swait.ge [sflag:s23], $0x1000  }
0x4a: {  	[sflag:s23] =	ssyncset.done $0x0  }
0x4b: {  	[sflag:s23] =	ssyncadd.s32 $0xFFFFF000  }
0x4c: {  	s31 =	simm.s32 $0x0;
	[bflag:$0x0] =	sbarrier.arrive $0xFFFF  }
0x4d: {  	[tilespmem:s31], [sflag:$0x1] =	stream.linear.gather [hbm4b:s16+s31], $0x800, $0x38;
	[tilespmem:$0x18000] =	vst v63  }
0x4e: {  	s10 =	simm.s32 $0x1000  }
0x4f: {  	[tilespmem:s10], [sflag:$0x1] =	stream.linear.gather [hbm4b:s17+s31], $0x800, $0x38;
	[tilespmem:$0x18000] =	vst v63  }
0x50: {  	s11 =	simm.s32 $0x2000  }
0x51: {  	[tilespmem:s11], [sflag:$0x1] =	stream.linear.gather [hbm4b:s18+s31], $0x800, $0x38;
	[tilespmem:$0x18000] =	vst v63  }
0x52: {  	_ =	swait.ge [sflag:s26], $0x800  }
0x53: {  	[sflag:s26] =	ssyncset.done $0x0  }
0x54: {  	[sflag:s26] =	ssyncadd.s32 $0xFFFFF800  }
0x55: {  	_ =	swait.ge [sflag:s26], $0x800  }
0x56: {  	[sflag:s26] =	ssyncset.done $0x0  }
0x57: {  	[sflag:s26] =	ssyncadd.s32 $0xFFFFF800  }
0x58: {  	_ =	swait.ge [sflag:s26], $0x800  }
0x59: {  	[sflag:s26] =	ssyncset.done $0x0  }
0x5a: {  	s12 =	simm.s32 $0x3000;
	[sflag:s26] =	ssyncadd.s32 $0xFFFFF800  }
0x5b: {  	[tilespmem:s12], [sflag:$0x2] =	stream.indirect.gather [hbm4b:s2+s28], $0x10, s31, s28, $0xb8;
	[tilespmem:$0x18000] =	vst v63  }
0x5c: {  	s13 =	simm.s32 $0x3800  }
0x5d: {  	[tilespmem:s13], [sflag:$0x2] =	stream.indirect.gather [hbm4b:s2+s28], $0x10, s28, s28, $0xb8;
	[tilespmem:$0x18000] =	vst v63  }
.Ltmp3:
0x5e: {  	s14 =	simm.s32 $0x100;
	s15 =	simm.s32 $0x4000;
	(pc) =	sbr.rel .LBB2_4-.Ltmp3, $4  }
0x5f: {  	[tilespmem:s15], [sflag:$0x2] =	stream.indirect.gather [hbm4b:s2+s28], $0x10, s14, s28, $0xb8;
	[tilespmem:$0x18000] =	vst v63  }
0x60: {  	s24 =	simm.s32 $0x180;
	s25 =	simm.s32 $0x4800  }
0x61: {  	[tilespmem:s25], [sflag:$0x2] =	stream.indirect.gather [hbm4b:s2+s28], $0x10, s24, s28, $0xb8;
	[tilespmem:$0x18000] =	vst v63  }
0x62: {  	s0 =	simm.s32 $0x0;
	s24 =	simm.s32 $0x0  }
.LBB2_7:
0x63: {  	s4 =	sor.u32 $0x4, s24  }
.LBB2_10:
0x64: {  	s12 =	sand.u32 $0xF, s4  }
0x65: {  	p0 =	sne.s32 s12, $0x0  }
0x66: {  	s13 =	simm.s32 @!p0 $0x1  }
0x67: {  	_ =	swait.ge @!p0 [sflag:s13], $0x800  }
0x68: {  	[sflag:s13] =	ssyncset.done @!p0 $0x0  }
0x69: {  	[sflag:s13] =	ssyncadd.s32 @!p0 $0xFFFFF800  }
0x6a: {  	_ =	swait.ge @!p0 [sflag:s13], $0x800  }
0x6b: {  	[sflag:s13] =	ssyncset.done @!p0 $0x0  }
0x6c: {  	s14 =	sshll.u32 s4, $0xB;
	[sflag:s13] =	ssyncadd.s32 @!p0 $0xFFFFF800  }
0x6d: {  	s15 =	sshll.u32 s4, $0x7;
	s14 =	sand.u32 $0x3800, s14;
	_ =	swait.ge @!p0 [sflag:s13], $0x800  }
0x6e: {  	s4 =	sand.u32 $0x800, s15;
	s12 =	sshll.u32 s12, $0x7;
	[sflag:s13] =	ssyncset.done @!p0 $0x0  }
0x6f: {  	s25 =	sadd.s32 $0x3000, s14;
	s4 =	sor.u32 s12, s4;
	[sflag:s13] =	ssyncadd.s32 @!p0 $0xFFFFF800  }
0x70: {  	[tilespmem:s25], [sflag:$0x2] =	stream.indirect.gather [hbm4b:s2+s28], $0x10, s4, s28, $0xb8;
	[tilespmem:$0x18000] =	vst v63  }
.LBB2_11:
0x71: {  	s24 =	sadd.s32 $0x1, s24  }
0x72: {  	p0 =	sne.s32 s24, $0x280  }
.Ltmp4:
0x73: {  	_ = 	snop;
	(pc) =	sbr.rel @!p0 .LBB2_12-.Ltmp4, $4  }
0x74: {  	s4 =	sshrl.u32 s10, $0x2;
	s25 =	sshrl.u32 s11, $0x2  }
0x75: {  	s9 =	sshll.u32 s9, $0xC;
	s0 =	sadd.s32 $0x1, s0;
	s4 =	sadd.s32 s25, s4  }
0x76: {  	s31 =	sadd.s32 $0x1, s31;
	s9 =	sadd.s32 $0x7000, s9;
	s4 =	sadd.s32 $0x1000, s4  }
0x77: {  	[spmem:s3] =	stream.indirect.scatter.add.f32 [tilespmem:s9], [sflag:$0x3], $0x20, s4, s28, $0xb8;
	[tilespmem:$0x18000] =	vst v63  }
.LBB2_4:
0x78: {  	s11 =	sand.u32 $0xF, s24;
	p0 =	sgt.u32 s24, $0x26F  }
0x79: {  	p1 =	sne.s32 @!p0 s11, $0x0  }
0x7a: {  	s10 =	sshrl.u32 s24, $0x4;
	p0 =	por p1, p0  }
0x7b: {  	s4 =	sshll.u32 s24, $0x9;
	s9 =	sand.u32 $0xF, s0;
	s12 =	sshll.u32 @!p0 s10, $0xB  }
0x7c: {  	s4 =	sand.u32 $0x2000, s4;
	s9 =	sshll.u32 s9, $0x9;
	s12 =	sadd.s32 @!p0 $0x800, s12  }
0x7d: {  	s4 =	sor.u32 s9, s4;
	s9 =	sadd.s32 @!p0 s19, s12  }
0x7e: {  	s4 =	sshrl.u32 s4, $0x2;
	s9 =	sshrl.u32 @!p0 s9, $0x3  }
0x7f: {  	s14 =	simm.s32 @!p0 $0x0;
	s12 =	sand.u32 @!p0 $0x800, s12;
	s13 =	sadd.s32 @!p0 s6, s9  }
0x80: {  	[tilespmem:s12], [sflag:$0x1] =	stream.linear.gather @!p0 [hbm4b:s13+s14], $0x800, $0x38;
	[tilespmem:$0x18000] =	vst v63  }
0x81: {  	s4 =	sor.u32 $0x2000, s4;
	s25 =	sadd.s32 @!p0 s7, s9;
	s13 =	sor.u32 @!p0 $0x1000, s12  }
0x82: {  	[tilespmem:s13], [sflag:$0x1] =	stream.linear.gather @!p0 [hbm4b:s25+s14], $0x800, $0x38;
	[tilespmem:$0x18000] =	vst v63  }
0x83: {  	v1 =	vmov s4;
	s9 =	sadd.s32 @!p0 s1, s9;
	s12 =	sor.u32 @!p0 $0x2000, s12  }
0x84: {  	[tilespmem:s12], [sflag:$0x1] =	stream.linear.gather @!p0 [hbm4b:s9+s14], $0x800, $0x38;
	[tilespmem:$0x18000] =	vst v63  }
0x85: {  	_ =	swait.ge [sflag:s29], $0x800  }
0x86: {  	s13 =	sand.u32 $0x7, s31;
	[sflag:s29] =	ssyncset.done $0x0  }
0x87: {  	s15 =	simm.s32 $0x0;
	s14 =	sshll.u32 s13, $0xB;
	[sflag:s29] =	ssyncadd.s32 $0xFFFFF800  }
0x88: {  	s25 =	sadd.s32 $0x3080, s14;
	v2 =	vld.idx.msk [tilespmem:v1+s15+$0x0 ss:$0x1], $0xffff  }
0x89: {  	v3 =	vld [tilespmem:s25+$0xFFFFFF80];
	_ =	sdelay $0x3  }
0x8a: {  	v4 =	vbroadcast v2, $0x0  }
0x8b: {  	v5 =	vunpack.i.l.bf16.f32 v3  }
0x8c: {  	s4 =	sshll.u32 s13, $0xC;
	v3 =	vunpack.i.u.bf16.f32 v3;
	v5 =	vmul.f32 v5, v4  }
0x8d: {  	s4 =	sadd.s32 $0x7100, s4;
	v3 =	vmul.f32 v3, v4  }
0x8e: {  	[tilespmem:s4+$0xFFFFFF00] =	vst v5  }
0x8f: {  	[tilespmem:s4+$0xFFFFFF10] =	vst v3  }
0x90: {  	v3 =	vld [tilespmem:s25+$0xFFFFFF90];
	_ =	sdelay $0x3  }
0x91: {  	v4 =	vbroadcast v2, $0x1  }
0x92: {  	v5 =	vunpack.i.l.bf16.f32 v3  }
0x93: {  	v3 =	vunpack.i.u.bf16.f32 v3;
	v5 =	vmul.f32 v5, v4  }
0x94: {  	v3 =	vmul.f32 v3, v4  }
0x95: {  	[tilespmem:s4+$0xFFFFFF20] =	vst v5  }
0x96: {  	[tilespmem:s4+$0xFFFFFF30] =	vst v3  }
0x97: {  	v3 =	vld [tilespmem:s25+$0xFFFFFFA0];
	_ =	sdelay $0x3  }
0x98: {  	v4 =	vbroadcast v2, $0x2  }
0x99: {  	v5 =	vunpack.i.l.bf16.f32 v3  }
0x9a: {  	v3 =	vunpack.i.u.bf16.f32 v3;
	v5 =	vmul.f32 v5, v4  }
0x9b: {  	v3 =	vmul.f32 v3, v4  }
0x9c: {  	[tilespmem:s4+$0xFFFFFF40] =	vst v5  }
0x9d: {  	[tilespmem:s4+$0xFFFFFF50] =	vst v3  }
0x9e: {  	v3 =	vld [tilespmem:s25+$0xFFFFFFB0];
	_ =	sdelay $0x3  }
0x9f: {  	v4 =	vbroadcast v2, $0x3  }
0xa0: {  	v5 =	vunpack.i.l.bf16.f32 v3  }
0xa1: {  	v3 =	vunpack.i.u.bf16.f32 v3;
	v5 =	vmul.f32 v5, v4  }
0xa2: {  	v3 =	vmul.f32 v3, v4  }
0xa3: {  	[tilespmem:s4+$0xFFFFFF60] =	vst v5  }
0xa4: {  	[tilespmem:s4+$0xFFFFFF70] =	vst v3  }
0xa5: {  	v3 =	vld [tilespmem:s25+$0xFFFFFFC0];
	_ =	sdelay $0x3  }
0xa6: {  	v4 =	vbroadcast v2, $0x4  }
0xa7: {  	v5 =	vunpack.i.l.bf16.f32 v3  }
0xa8: {  	v3 =	vunpack.i.u.bf16.f32 v3;
	v5 =	vmul.f32 v5, v4  }
0xa9: {  	v3 =	vmul.f32 v3, v4  }
0xaa: {  	[tilespmem:s4+$0xFFFFFF80] =	vst v5  }
0xab: {  	[tilespmem:s4+$0xFFFFFF90] =	vst v3  }
0xac: {  	v3 =	vld [tilespmem:s25+$0xFFFFFFD0];
	_ =	sdelay $0x3  }
0xad: {  	v4 =	vbroadcast v2, $0x5  }
0xae: {  	v5 =	vunpack.i.l.bf16.f32 v3  }
0xaf: {  	v3 =	vunpack.i.u.bf16.f32 v3;
	v5 =	vmul.f32 v5, v4  }
0xb0: {  	v3 =	vmul.f32 v3, v4  }
0xb1: {  	[tilespmem:s4+$0xFFFFFFA0] =	vst v5  }
0xb2: {  	[tilespmem:s4+$0xFFFFFFB0] =	vst v3  }
0xb3: {  	v3 =	vld [tilespmem:s25+$0xFFFFFFE0];
	_ =	sdelay $0x3  }
0xb4: {  	v4 =	vbroadcast v2, $0x6  }
0xb5: {  	v5 =	vunpack.i.l.bf16.f32 v3  }
0xb6: {  	v3 =	vunpack.i.u.bf16.f32 v3;
	v5 =	vmul.f32 v5, v4  }
0xb7: {  	v3 =	vmul.f32 v3, v4  }
0xb8: {  	[tilespmem:s4+$0xFFFFFFC0] =	vst v5  }
0xb9: {  	[tilespmem:s4+$0xFFFFFFD0] =	vst v3  }
0xba: {  	v3 =	vld [tilespmem:s25+$0xFFFFFFF0];
	_ =	sdelay $0x3  }
0xbb: {  	v4 =	vbroadcast v2, $0x7  }
0xbc: {  	v5 =	vunpack.i.l.bf16.f32 v3  }
0xbd: {  	v3 =	vunpack.i.u.bf16.f32 v3;
	v5 =	vmul.f32 v5, v4  }
0xbe: {  	v3 =	vmul.f32 v3, v4  }
0xbf: {  	[tilespmem:s4+$0xFFFFFFE0] =	vst v5  }
0xc0: {  	[tilespmem:s4+$0xFFFFFFF0] =	vst v3  }
0xc1: {  	v3 =	vld [tilespmem:s25+$0x0];
	_ =	sdelay $0x3  }
0xc2: {  	v4 =	vbroadcast v2, $0x8  }
0xc3: {  	v5 =	vunpack.i.l.bf16.f32 v3  }
0xc4: {  	v3 =	vunpack.i.u.bf16.f32 v3;
	v5 =	vmul.f32 v5, v4  }
0xc5: {  	v3 =	vmul.f32 v3, v4  }
0xc6: {  	[tilespmem:s4+$0x0] =	vst v5  }
0xc7: {  	[tilespmem:s4+$0x10] =	vst v3  }
0xc8: {  	v3 =	vld [tilespmem:s25+$0x10];
	_ =	sdelay $0x3  }
0xc9: {  	v4 =	vbroadcast v2, $0x9  }
0xca: {  	v5 =	vunpack.i.l.bf16.f32 v3  }
0xcb: {  	v3 =	vunpack.i.u.bf16.f32 v3;
	v5 =	vmul.f32 v5, v4  }
0xcc: {  	v3 =	vmul.f32 v3, v4  }
0xcd: {  	[tilespmem:s4+$0x20] =	vst v5  }
0xce: {  	[tilespmem:s4+$0x30] =	vst v3  }
0xcf: {  	v3 =	vld [tilespmem:s25+$0x20];
	_ =	sdelay $0x3  }
0xd0: {  	v4 =	vbroadcast v2, $0xA  }
0xd1: {  	v5 =	vunpack.i.l.bf16.f32 v3  }
0xd2: {  	v3 =	vunpack.i.u.bf16.f32 v3;
	v5 =	vmul.f32 v5, v4  }
0xd3: {  	v3 =	vmul.f32 v3, v4  }
0xd4: {  	[tilespmem:s4+$0x40] =	vst v5  }
0xd5: {  	[tilespmem:s4+$0x50] =	vst v3  }
0xd6: {  	v3 =	vld [tilespmem:s25+$0x30];
	_ =	sdelay $0x3  }
0xd7: {  	v4 =	vbroadcast v2, $0xB  }
0xd8: {  	v5 =	vunpack.i.l.bf16.f32 v3  }
0xd9: {  	v3 =	vunpack.i.u.bf16.f32 v3;
	v5 =	vmul.f32 v5, v4  }
0xda: {  	v3 =	vmul.f32 v3, v4  }
0xdb: {  	[tilespmem:s4+$0x60] =	vst v5  }
0xdc: {  	[tilespmem:s4+$0x70] =	vst v3  }
0xdd: {  	v3 =	vld [tilespmem:s25+$0x40];
	_ =	sdelay $0x3  }
0xde: {  	v4 =	vbroadcast v2, $0xC  }
0xdf: {  	v5 =	vunpack.i.l.bf16.f32 v3  }
0xe0: {  	v3 =	vunpack.i.u.bf16.f32 v3;
	v5 =	vmul.f32 v5, v4  }
0xe1: {  	v3 =	vmul.f32 v3, v4  }
0xe2: {  	[tilespmem:s4+$0x80] =	vst v5  }
0xe3: {  	[tilespmem:s4+$0x90] =	vst v3  }
0xe4: {  	v3 =	vld [tilespmem:s25+$0x50];
	_ =	sdelay $0x3  }
0xe5: {  	v4 =	vbroadcast v2, $0xD  }
0xe6: {  	v5 =	vunpack.i.l.bf16.f32 v3  }
0xe7: {  	v3 =	vunpack.i.u.bf16.f32 v3;
	v5 =	vmul.f32 v5, v4  }
0xe8: {  	v3 =	vmul.f32 v3, v4  }
0xe9: {  	s10 =	sshll.u32 s10, $0xD;
	[tilespmem:s4+$0xA0] =	vst v5  }
0xea: {  	s11 =	sshll.u32 s11, $0x9;
	s10 =	sand.u32 $0x2000, s10;
	s9 =	sand.u32 $0x7, s24;
	[tilespmem:s4+$0xB0] =	vst v3  }
0xeb: {  	s14 =	simm.s32 $0x40;
	s12 =	smov.u32 s4;
	s13 =	smov.u32 s25;
	v3 =	vbroadcast v2, $0xE;
	v2 =	vbroadcast v2, $0xF;
	v4 =	vld [tilespmem:s25+$0x60]  }
.LBB2_5:
0xec: {  	_ =	sdelay $0x1  }
0xed: {  	p0 =	sne.s32 s14, $0x1C0;
	s4 =	sadd.s32 $0x200, s4;
	s25 =	sadd.s32 $0x100, s25  }
0xee: {  	s15 =	smov.u32 s14;
	s14 =	sadd.s32 $0x40, s14  }
0xef: {  	v5 =	vunpack.i.u.bf16.f32 v4;
	v4 =	vunpack.i.l.bf16.f32 v4  }
0xf0: {  	v4 =	vmul.f32 v4, v3;
	v3 =	vmul.f32 v5, v3;
	_ =	sdelay $0x1  }
0xf1: {  	[tilespmem:s12+$0xC0] =	vst v4  }
0xf2: {  	[tilespmem:s12+$0xD0] =	vst v3  }
0xf3: {  	v3 =	vld [tilespmem:s13+$0x70];
	s13 =	smov.u32 s25;
	_ =	sdelay $0x4  }
0xf4: {  	v4 =	vunpack.i.u.bf16.f32 v3;
	v3 =	vunpack.i.l.bf16.f32 v3  }
0xf5: {  	v3 =	vmul.f32 v3, v2;
	v2 =	vmul.f32 v4, v2;
	_ =	sdelay $0x1  }
0xf6: {  	[tilespmem:s12+$0xE0] =	vst v3  }
0xf7: {  	s15 =	sshra.s32 s15, $0x2;
	[tilespmem:s12+$0xF0] =	vst v2;
	s12 =	smov.u32 s4  }
0xf8: {  	v2 =	vld.idx.msk [tilespmem:v1+s15+$0x0 ss:$0x1], $0xffff;
	_ =	sdelay $0x1  }
0xf9: {  	v3 =	vld [tilespmem:s25+$0xFFFFFF80];
	_ =	sdelay $0x3  }
0xfa: {  	v4 =	vbroadcast v2, $0x0  }
0xfb: {  	v5 =	vunpack.i.u.bf16.f32 v3;
	v3 =	vunpack.i.l.bf16.f32 v3  }
0xfc: {  	v3 =	vmul.f32 v3, v4;
	v4 =	vmul.f32 v5, v4;
	_ =	sdelay $0x1  }
0xfd: {  	[tilespmem:s4+$0xFFFFFF00] =	vst v3  }
0xfe: {  	[tilespmem:s4+$0xFFFFFF10] =	vst v4  }
0xff: {  	v3 =	vld [tilespmem:s25+$0xFFFFFF90];
	_ =	sdelay $0x2  }
0x100: {  	v4 =	vbroadcast v2, $0x1;
	_ =	sdelay $0x1  }
0x101: {  	v5 =	vunpack.i.u.bf16.f32 v3;
	v3 =	vunpack.i.l.bf16.f32 v3  }
0x102: {  	v3 =	vmul.f32 v3, v4;
	v4 =	vmul.f32 v5, v4;
	_ =	sdelay $0x1  }
0x103: {  	[tilespmem:s4+$0xFFFFFF20] =	vst v3  }
0x104: {  	[tilespmem:s4+$0xFFFFFF30] =	vst v4  }
0x105: {  	v3 =	vld [tilespmem:s25+$0xFFFFFFA0];
	_ =	sdelay $0x1  }
0x106: {  	v4 =	vbroadcast v2, $0x2;
	_ =	sdelay $0x2  }
0x107: {  	v5 =	vunpack.i.u.bf16.f32 v3;
	v3 =	vunpack.i.l.bf16.f32 v3  }
0x108: {  	v3 =	vmul.f32 v3, v4;
	v4 =	vmul.f32 v5, v4;
	_ =	sdelay $0x1  }
0x109: {  	[tilespmem:s4+$0xFFFFFF40] =	vst v3  }
0x10a: {  	[tilespmem:s4+$0xFFFFFF50] =	vst v4  }
0x10b: {  	v3 =	vld [tilespmem:s25+$0xFFFFFFB0]  }
0x10c: {  	v4 =	vbroadcast v2, $0x3;
	_ =	sdelay $0x3  }
0x10d: {  	v5 =	vunpack.i.u.bf16.f32 v3;
	v3 =	vunpack.i.l.bf16.f32 v3  }
0x10e: {  	v3 =	vmul.f32 v3, v4;
	v4 =	vmul.f32 v5, v4;
	_ =	sdelay $0x1  }
0x10f: {  	[tilespmem:s4+$0xFFFFFF60] =	vst v3  }
0x110: {  	[tilespmem:s4+$0xFFFFFF70] =	vst v4  }
0x111: {  	v4 =	vbroadcast v2, $0x4;
	v3 =	vld [tilespmem:s25+$0xFFFFFFC0];
	_ =	sdelay $0x4  }
0x112: {  	v5 =	vunpack.i.u.bf16.f32 v3;
	v3 =	vunpack.i.l.bf16.f32 v3  }
0x113: {  	v3 =	vmul.f32 v3, v4;
	v4 =	vmul.f32 v5, v4;
	_ =	sdelay $0x1  }
0x114: {  	[tilespmem:s4+$0xFFFFFF80] =	vst v3  }
0x115: {  	v3 =	vbroadcast v2, $0x5;
	[tilespmem:s4+$0xFFFFFF90] =	vst v4  }
0x116: {  	v4 =	vld [tilespmem:s25+$0xFFFFFFD0];
	_ =	sdelay $0x4  }
0x117: {  	v5 =	vunpack.i.u.bf16.f32 v4;
	v4 =	vunpack.i.l.bf16.f32 v4  }
0x118: {  	v4 =	vmul.f32 v4, v3;
	v3 =	vmul.f32 v5, v3;
	_ =	sdelay $0x1  }
0x119: {  	[tilespmem:s4+$0xFFFFFFA0] =	vst v4;
	v4 =	vbroadcast v2, $0x6  }
0x11a: {  	[tilespmem:s4+$0xFFFFFFB0] =	vst v3  }
0x11b: {  	v3 =	vld [tilespmem:s25+$0xFFFFFFE0];
	_ =	sdelay $0x4  }
0x11c: {  	v5 =	vunpack.i.u.bf16.f32 v3;
	v3 =	vunpack.i.l.bf16.f32 v3  }
0x11d: {  	v3 =	vmul.f32 v3, v4;
	v4 =	vmul.f32 v5, v4  }
0x11e: {  	v5 =	vbroadcast v2, $0x7  }
0x11f: {  	[tilespmem:s4+$0xFFFFFFC0] =	vst v3  }
0x120: {  	[tilespmem:s4+$0xFFFFFFD0] =	vst v4  }
0x121: {  	v3 =	vld [tilespmem:s25+$0xFFFFFFF0];
	_ =	sdelay $0x4  }
0x122: {  	v6 =	vbroadcast v2, $0x8;
	v4 =	vunpack.i.u.bf16.f32 v3;
	v3 =	vunpack.i.l.bf16.f32 v3  }
0x123: {  	v3 =	vmul.f32 v3, v5;
	v4 =	vmul.f32 v4, v5;
	_ =	sdelay $0x1  }
0x124: {  	[tilespmem:s4+$0xFFFFFFE0] =	vst v3  }
0x125: {  	[tilespmem:s4+$0xFFFFFFF0] =	vst v4  }
0x126: {  	v3 =	vld [tilespmem:s25+$0x0];
	_ =	sdelay $0x4  }
0x127: {  	v5 =	vbroadcast v2, $0x9;
	v4 =	vunpack.i.u.bf16.f32 v3;
	v3 =	vunpack.i.l.bf16.f32 v3  }
0x128: {  	v3 =	vmul.f32 v3, v6;
	v4 =	vmul.f32 v4, v6;
	_ =	sdelay $0x1  }
0x129: {  	[tilespmem:s4+$0x0] =	vst v3  }
0x12a: {  	[tilespmem:s4+$0x10] =	vst v4  }
0x12b: {  	v3 =	vld [tilespmem:s25+$0x10];
	_ =	sdelay $0x3  }
0x12c: {  	v4 =	vbroadcast v2, $0xA  }
0x12d: {  	v6 =	vunpack.i.u.bf16.f32 v3;
	v3 =	vunpack.i.l.bf16.f32 v3  }
0x12e: {  	v3 =	vmul.f32 v3, v5;
	v5 =	vmul.f32 v6, v5;
	_ =	sdelay $0x1  }
0x12f: {  	[tilespmem:s4+$0x20] =	vst v3  }
0x130: {  	[tilespmem:s4+$0x30] =	vst v5  }
0x131: {  	v3 =	vld [tilespmem:s25+$0x20];
	_ =	sdelay $0x2  }
0x132: {  	v5 =	vbroadcast v2, $0xB;
	_ =	sdelay $0x1  }
0x133: {  	v6 =	vunpack.i.u.bf16.f32 v3;
	v3 =	vunpack.i.l.bf16.f32 v3  }
0x134: {  	v3 =	vmul.f32 v3, v4;
	v4 =	vmul.f32 v6, v4;
	_ =	sdelay $0x1  }
0x135: {  	[tilespmem:s4+$0x40] =	vst v3  }
0x136: {  	[tilespmem:s4+$0x50] =	vst v4  }
0x137: {  	v3 =	vld [tilespmem:s25+$0x30];
	_ =	sdelay $0x1  }
0x138: {  	v4 =	vbroadcast v2, $0xC;
	_ =	sdelay $0x2  }
0x139: {  	v6 =	vunpack.i.u.bf16.f32 v3;
	v3 =	vunpack.i.l.bf16.f32 v3  }
0x13a: {  	v3 =	vmul.f32 v3, v5;
	v5 =	vmul.f32 v6, v5;
	_ =	sdelay $0x1  }
0x13b: {  	[tilespmem:s4+$0x60] =	vst v3  }
0x13c: {  	[tilespmem:s4+$0x70] =	vst v5  }
0x13d: {  	v3 =	vld [tilespmem:s25+$0x40]  }
0x13e: {  	v5 =	vbroadcast v2, $0xD;
	_ =	sdelay $0x3  }
0x13f: {  	v6 =	vunpack.i.u.bf16.f32 v3;
	v3 =	vunpack.i.l.bf16.f32 v3  }
0x140: {  	v3 =	vmul.f32 v3, v4;
	v4 =	vmul.f32 v6, v4;
	_ =	sdelay $0x1  }
0x141: {  	[tilespmem:s4+$0x80] =	vst v3  }
0x142: {  	[tilespmem:s4+$0x90] =	vst v4  }
0x143: {  	v3 =	vbroadcast v2, $0xE;
	v4 =	vld [tilespmem:s25+$0x50];
	_ =	sdelay $0x4  }
0x144: {  	v6 =	vunpack.i.u.bf16.f32 v4;
	v4 =	vunpack.i.l.bf16.f32 v4  }
.Ltmp5:
0x145: {  	v4 =	vmul.f32 v4, v5;
	v5 =	vmul.f32 v6, v5;
	(pc) =	sbr.rel @p0 .LBB2_5-.Ltmp5, $4  }
0x146: {  	_ = 	snop  }
0x147: {  	[tilespmem:s4+$0xA0] =	vst v4  }
0x148: {  	v2 =	vbroadcast v2, $0xF;
	[tilespmem:s4+$0xB0] =	vst v5  }
0x149: {  	v4 =	vld [tilespmem:s25+$0x60]  }
0x14a: {  	_ =	sdelay $0x3  }
0x14b: {  	v1 =	vunpack.i.l.bf16.f32 v4  }
0x14c: {  	v63 =	vunpack.i.u.bf16.f32 v4;
	v1 =	vmul.f32 v1, v3  }
0x14d: {  	v3 =	vmul.f32 v63, v3  }
0x14e: {  	[tilespmem:s12+$0xC0] =	vst v1  }
0x14f: {  	[tilespmem:s12+$0xD0] =	vst v3  }
0x150: {  	v1 =	vld [tilespmem:s13+$0x70];
	_ =	sdelay $0x3  }
0x151: {  	p0 =	sgt.u32 s24, $0x3  }
.Ltmp6:
0x152: {  	v3 =	vunpack.i.l.bf16.f32 v1;
	(pc) =	sbr.rel @!p0 .LBB2_7-.Ltmp6, $4  }
0x153: {  	v1 =	vunpack.i.u.bf16.f32 v1;
	v3 =	vmul.f32 v3, v2  }
0x154: {  	v1 =	vmul.f32 v1, v2  }
0x155: {  	[tilespmem:s12+$0xE0] =	vst v3  }
0x156: {  	[tilespmem:s12+$0xF0] =	vst v1  }
0x157: {  	p0 =	sgt.u32 s24, $0x27B  }
.Ltmp7:
0x158: {  	_ = 	snop;
	(pc) =	sbr.rel @p0 .LBB2_11-.Ltmp7, $4  }
0x159: {  	_ = 	snop  }
0x15a: {  	_ =	swait.ge [sflag:s30], $0x1000  }
0x15b: {  	[sflag:s30] =	ssyncset.done $0x0  }
0x15c: {  	[sflag:s30] =	ssyncadd.s32 $0xFFFFF000  }
.Ltmp8:
0x15d: {  	(pc) =	sbr.rel .LBB2_10-.Ltmp8, $2  }
0x15e: {  	_ =	sdelay $0x2  }
0x15f: {  	s4 =	sadd.s32 $0x4, s24  }
.LBB2_13:
0x160: {  	_ =	sfence.sel $0x180000  }
0x161: {  	[bflag:$0x0] =	sbarrier.arrive $0xFFFF  }
0x162: {  	_ =	strace $0x90000047  }
0x163: {  	s0 =	stileid.u32;
	[bflag:$0x2] =	sbarrier.arrive $0xFFFF  }
0x164: {  	p0 =	sne.s32 s0, $0x0;
	s0 =	rddreg [dreg:$0x4]  }
0x165: {  	s0 =	sadd.s32 @!p0 $0x100000, s0  }
0x166: {  	[sflag:s0] =	ssyncadd.tile.s32 @!p0 $0x1;
	_ =	shalt  }
.Lfunc_end2:
_tile_overlayer_lowered:
.L_overlay_start_2:
0x167: {  	(tag) =	ssettag $0x2  }
0x168: {  	s0 =	rddreg [dreg:$0x0];
	s2 =	stileid.u32  }
0x169: {  	s1 =	rddreg [dreg:$0x1];
	p0 =	sne.s32 s2, $0x0  }
0x16a: {  	s3 =	rddreg [dreg:$0x2];
	[bflag:$0x3] =	sbarrier.arrive $0xFFFF;
	s2 =	simm.s32 @!p0 $0x1C04  }
0x16b: {  	[timem:s3], [sflag:s2] =	dma.local @!p0 [hbm:s0], s1  }
0x16c: {  	s0 =	simm.s32 @!p0 $0x4  }
0x16d: {  	_ =	swait.ge @!p0 [sflag:s0], s1  }
0x16e: {  	s1 =	ssub.s32 @!p0 $0x0, s1;
	[sflag:s0] =	ssyncset.done @!p0 $0x0  }
0x16f: {  	[sflag:s0] =	ssyncadd.s32 @!p0 s1  }
0x170: {  	[bflag:$0x3] =	sbarrier.arrive $0xFFFF  }
0x171: {  	_ =	shalt  }

</sc_bundles>
